<compile_context>
chip_gen: v7x
topology: tpu7x:2x2x1
jax: 0.10.2.dev20260603
libtpu: 0.0.44.dev20260713+nightly
codegen_flags: <defaults>
</compile_context>

<pallas_src>
import functools

import jax
import jax.numpy as jnp
from jax import lax
from jax.experimental import pallas as pl
from jax.experimental.pallas import tpu as pltpu
from jax.experimental.pallas import tpu_sc as plsc

_CHUNK = 128


_BT = 4096
_LOG = _BT.bit_length() - 1


def _prep_body(a_ref, r_ref, ao_ref, ro_ref):
    a = a_ref[...]
    r = r_ref[...]
    ao_ref[...] = jnp.concatenate([a[:, :_BT].T, a[:, _BT:].T], axis=1)
    ro_ref[...] = jnp.concatenate([r[:, :_BT].T, r[:, _BT:].T], axis=1)


def _pack_tables(act_table, res_table):
    v, h = act_table.shape
    grid = (v + 2 * _BT - 1) // (2 * _BT)
    vp = grid * _BT
    return pl.pallas_call(
        _prep_body,
        grid=(grid,),
        in_specs=[pl.BlockSpec((h, 2 * _BT), lambda i: (0, i)),
                  pl.BlockSpec((h, 2 * _BT), lambda i: (0, i))],
        out_specs=[pl.BlockSpec((_BT, 2 * h), lambda i: (i, 0)),
                   pl.BlockSpec((_BT, 2 * h), lambda i: (i, 0))],
        out_shape=[jax.ShapeDtypeStruct((vp, 2 * h), jnp.float32),
                   jax.ShapeDtypeStruct((vp, 2 * h), jnp.float32)],
    )(act_table.T, res_table.T)


def _sc_gather_body(nc, n_chunks, b_per_w,
                    act_tab, res_tab, idx, act_out, res_out,
                    idx_v, rows_a, rows_r, sem_a, sem_r):
    wid = lax.axis_index("s") * nc + lax.axis_index("c")
    pltpu.sync_copy(idx.at[wid], idx_v)
    hb = n_chunks // 2
    for p in range(2):
        copies = []
        for j in range(hb):
            copies.append(pltpu.async_copy(
                act_tab.at[idx_v.at[p * hb + j]],
                rows_a.at[pl.ds(j * _CHUNK, _CHUNK)], sem_a))
            copies.append(pltpu.async_copy(
                res_tab.at[idx_v.at[n_chunks + p * hb + j]],
                rows_r.at[pl.ds(j * _CHUNK, _CHUNK)], sem_r))
        for c in copies:
            c.wait()
        base = wid * b_per_w + p * hb * _CHUNK
        pltpu.sync_copy(rows_a, act_out.at[pl.ds(base, hb * _CHUNK)])
        pltpu.sync_copy(rows_r, res_out.at[pl.ds(base, hb * _CHUNK)])


def _sc_gather(act_pairs, res_pairs, idx_all, n, dtype):
    w = act_pairs.shape[1]
    info = plsc.get_sparse_core_info()
    nc, ns = info.num_cores, info.num_subcores
    nw = nc * ns
    b_per_w = n // nw
    assert b_per_w * nw == n and b_per_w % _CHUNK == 0
    n_chunks = b_per_w // _CHUNK
    mesh = plsc.VectorSubcoreMesh(core_axis_name="c", subcore_axis_name="s")
    f = pl.kernel(
        functools.partial(_sc_gather_body, nc, n_chunks, b_per_w),
        out_type=(jax.ShapeDtypeStruct((n, w), dtype),
                  jax.ShapeDtypeStruct((n, w), dtype)),
        mesh=mesh,
        scratch_types=[
            pltpu.VMEM((2 * n_chunks, _CHUNK), jnp.int32),
            pltpu.VMEM((b_per_w // 2, w), dtype),
            pltpu.VMEM((b_per_w // 2, w), dtype),
            pltpu.SemaphoreType.DMA,
            pltpu.SemaphoreType.DMA,
        ],
    )
    return f(act_pairs, res_pairs, idx_all)


def _tc_dense_body(act_ref, res_ref, num_ref, aid_ref, rid_ref,
                   nlg_ref, nlb_ref, w1_ref, b1_ref, mlg_ref, mlb_ref,
                   wg_ref, bg_ref, wb_ref, bb_ref, wpc_ref, wpn_ref, bp_ref,
                   plg_ref, plb_ref, out_ref):
    eps = 1e-5
    num = num_ref[...]
    nf = jnp.log(1.0 + jnp.maximum(num, 0.0))
    mu = jnp.mean(nf, axis=-1, keepdims=True)
    var = jnp.mean((nf - mu) ** 2, axis=-1, keepdims=True)
    nf = (nf - mu) * lax.rsqrt(var + eps) * nlg_ref[...] + nlb_ref[...]
    hid = jnp.dot(nf, w1_ref[...], preferred_element_type=jnp.float32)
    hid = jnp.maximum(hid + b1_ref[...], 0.0)
    mu = jnp.mean(hid, axis=-1, keepdims=True)
    var = jnp.mean((hid - mu) ** 2, axis=-1, keepdims=True)
    num_emb = (hid - mu) * lax.rsqrt(var + eps) * mlg_ref[...] + mlb_ref[...]
    g_in = jnp.dot(num_emb, wg_ref[...], preferred_element_type=jnp.float32)
    gamma = 1.0 / (1.0 + jnp.exp(-(g_in + bg_ref[...])))
    beta = jnp.dot(num_emb, wb_ref[...],
                   preferred_element_type=jnp.float32) + bb_ref[...]
    aid = aid_ref[...]
    rid = rid_ref[...]
    a_pairs = act_ref[...]
    r_pairs = res_ref[...]
    h = a_pairs.shape[1] // 2
    a_hi = ((aid >> _LOG) & 1) == 1
    r_hi = ((rid >> _LOG) & 1) == 1
    act_emb = jnp.where(a_hi, a_pairs[:, h:], a_pairs[:, :h])
    res_emb = jnp.where(r_hi, r_pairs[:, h:], r_pairs[:, :h])
    cat = jnp.concatenate([act_emb, res_emb], axis=-1)
    cat_mod = cat * gamma + beta
    is_pad = (aid == 0) & (rid == 0)
    cat_mod = jnp.where(is_pad, 0.0, cat_mod)
    num_emb = jnp.where(is_pad, 0.0, num_emb)
    comb = (jnp.dot(cat_mod, wpc_ref[...], preferred_element_type=jnp.float32)
            + jnp.dot(num_emb, wpn_ref[...], preferred_element_type=jnp.float32)
            + bp_ref[...])
    comb = jnp.maximum(comb, 0.0)
    mu = jnp.mean(comb, axis=-1, keepdims=True)
    var = jnp.mean((comb - mu) ** 2, axis=-1, keepdims=True)
    out_ref[...] = (comb - mu) * lax.rsqrt(var + eps) * plg_ref[...] + plb_ref[...]


def kernel(activities, resources, num_arr, act_table, res_table,
           num_ln_g, num_ln_b, W1, b1, mlp_ln_g, mlp_ln_b,
           Wg, bg, Wb, bb, Wp, bp, proj_ln_g, proj_ln_b):
    n = activities.shape[0]
    v, h = act_table.shape
    d = W1.shape[1]
    f = num_arr.shape[1]
    acts = activities.astype(jnp.int32)
    ress = resources.astype(jnp.int32)

    nw = 32
    n_chunks = n // nw // _CHUNK
    pair_row = lambda i: ((i >> (_LOG + 1)) << _LOG) | (i & (_BT - 1))
    a3 = pair_row(acts).reshape(nw, n_chunks, _CHUNK)
    r3 = pair_row(ress).reshape(nw, n_chunks, _CHUNK)
    idx_all = jnp.concatenate([a3, r3], axis=1)

    act_pairs, res_pairs = _pack_tables(act_table, res_table)
    a_emb2, r_emb2 = _sc_gather(act_pairs, res_pairs, idx_all, n,
                                jnp.float32)

    bn = 2048
    nblk = n // bn
    row_spec = lambda w: pl.BlockSpec((bn, w), lambda i: (i, 0))
    full_spec = lambda s: pl.BlockSpec(s, lambda i: tuple(0 for _ in s))
    out = pl.pallas_call(
        _tc_dense_body,
        grid=(nblk,),
        in_specs=[
            row_spec(2 * h), row_spec(2 * h), row_spec(f),
            row_spec(1), row_spec(1),
            full_spec((1, f)), full_spec((1, f)),
            full_spec((f, d)), full_spec((1, d)),
            full_spec((1, d)), full_spec((1, d)),
            full_spec((d, d)), full_spec((1, d)),
            full_spec((d, d)), full_spec((1, d)),
            full_spec((d, d)), full_spec((d, d)), full_spec((1, d)),
            full_spec((1, d)), full_spec((1, d)),
        ],
        out_specs=row_spec(d),
        out_shape=jax.ShapeDtypeStruct((n, d), jnp.float32),
    )(
        a_emb2, r_emb2, num_arr,
        acts.reshape(n, 1), ress.reshape(n, 1),
        num_ln_g.reshape(1, f), num_ln_b.reshape(1, f),
        W1, b1.reshape(1, d),
        mlp_ln_g.reshape(1, d), mlp_ln_b.reshape(1, d),
        Wg, bg.reshape(1, d),
        Wb, bb.reshape(1, d),
        Wp[:d], Wp[d:], bp.reshape(1, d),
        proj_ln_g.reshape(1, d), proj_ln_b.reshape(1, d),
    )
    return out

# --- scband reference (transcript-rebuilt; emitter-appended) ---
"""Pipeline reference for scband-event-embedder-17085379904187 (READ-ONLY COPY).

The authoritative reference and input builder live on the scoring server;
editing this copy changes nothing except your own understanding.
"""

import jax, jax.numpy as jnp
import numpy as np


def _ln(x, g, b, eps=1e-5):
    mu = jnp.mean(x, axis=-1, keepdims=True)
    var = jnp.mean((x - mu) ** 2, axis=-1, keepdims=True)
    return (x - mu) / jnp.sqrt(var + eps) * g + b


def setup_inputs(seed: int = 0) -> dict:
    key = jax.random.key(seed)
    ks = jax.random.split(key, 12)
    N = 16384
    V = 100000
    D = 128
    H = D // 2
    F = 3
    activities = jax.random.randint(ks[0], (N,), 0, V)
    resources = jax.random.randint(ks[1], (N,), 0, V)
    num_arr = jax.random.uniform(ks[2], (N, F), dtype=jnp.float32) * 10.0
    act_table = jax.random.normal(ks[3], (V, H), dtype=jnp.float32) * 0.02
    act_table = act_table.at[0].set(0.0)  # padding_idx=0
    res_table = jax.random.normal(ks[4], (V, H), dtype=jnp.float32) * 0.02
    res_table = res_table.at[0].set(0.0)  # padding_idx=0
    num_ln_g = jnp.ones((F,), dtype=jnp.float32)
    num_ln_b = jnp.zeros((F,), dtype=jnp.float32)
    W1 = jax.random.normal(ks[5], (F, D), dtype=jnp.float32) * 0.1
    b1 = jnp.zeros((D,), dtype=jnp.float32)
    mlp_ln_g = jnp.ones((D,), dtype=jnp.float32)
    mlp_ln_b = jnp.zeros((D,), dtype=jnp.float32)
    Wg = jax.random.normal(ks[6], (D, D), dtype=jnp.float32) * 0.05
    bg = jnp.zeros((D,), dtype=jnp.float32)
    Wb = jax.random.normal(ks[7], (D, D), dtype=jnp.float32) * 0.05
    bb = jnp.zeros((D,), dtype=jnp.float32)
    Wp = jax.random.normal(ks[8], (2 * D, D), dtype=jnp.float32) * 0.05
    bp = jnp.zeros((D,), dtype=jnp.float32)
    proj_ln_g = jnp.ones((D,), dtype=jnp.float32)
    proj_ln_b = jnp.zeros((D,), dtype=jnp.float32)
    return {
        "activities": activities,
        "resources": resources,
        "num_arr": num_arr,
        "act_table": act_table,
        "res_table": res_table,
        "num_ln_g": num_ln_g,
        "num_ln_b": num_ln_b,
        "W1": W1,
        "b1": b1,
        "mlp_ln_g": mlp_ln_g,
        "mlp_ln_b": mlp_ln_b,
        "Wg": Wg,
        "bg": bg,
        "Wb": Wb,
        "bb": bb,
        "Wp": Wp,
        "bp": bp,
        "proj_ln_g": proj_ln_g,
        "proj_ln_b": proj_ln_b,
    }


def reference(activities, resources, num_arr, act_table, res_table,
              num_ln_g, num_ln_b, W1, b1, mlp_ln_g, mlp_ln_b,
              Wg, bg, Wb, bb, Wp, bp, proj_ln_g, proj_ln_b):
    # categorical stream: two embedding gathers (SparseCore-friendly)
    act_emb = jnp.take(act_table, activities, axis=0)
    res_emb = jnp.take(res_table, resources, axis=0)
    cat_emb = jnp.concatenate([act_emb, res_emb], axis=-1)
    # numeric stream: log1p + LayerNorm + MLP
    nf = jnp.log1p(jnp.clip(num_arr, 0.0, None))
    nf = _ln(nf, num_ln_g, num_ln_b)
    num_emb = _ln(jax.nn.relu(nf @ W1 + b1), mlp_ln_g, mlp_ln_b)
    # FiLM modulation of categorical stream by numeric stream
    gamma = jax.nn.sigmoid(num_emb @ Wg + bg)
    beta = num_emb @ Wb + bb
    cat_mod = cat_emb * gamma + beta
    # pad masking
    is_pad = (activities == 0) & (resources == 0)
    cat_mod = jnp.where(is_pad[:, None], 0.0, cat_mod)
    num_emb = jnp.where(is_pad[:, None], 0.0, num_emb)
    combined = jnp.concatenate([cat_mod, num_emb], axis=-1)
    out = _ln(jax.nn.relu(combined @ Wp + bp), proj_ln_g, proj_ln_b)
    # dropout is identity in eval mode
    return out

if __name__ == "__main__":
    import jax
    _d = setup_inputs()
    print(jax.jit(kernel)(*tuple(_d.values())))

</pallas_src>

<mosaic_0001>
#map = affine_map<(d0, d1) -> (0, 0)>
#map1 = affine_map<(d0, d1) -> (0, 0, 0)>
module attributes {stable_mosaic.version = 14 : i64} {
  func.func @_sc_gather_body(%arg0: i32, %arg1: i32, %arg2: memref<53248x128xf32, #tpu.memory_space<hbm>>, %arg3: memref<53248x128xf32, #tpu.memory_space<hbm>>, %arg4: memref<32x8x128xi32, #tpu.memory_space<hbm>>, %arg5: memref<16384x128xf32, #tpu.memory_space<hbm>>, %arg6: memref<16384x128xf32, #tpu.memory_space<hbm>>, %arg7: memref<8x128xi32, #tpu.memory_space<vmem>>, %arg8: memref<256x128xf32, #tpu.memory_space<vmem>>, %arg9: memref<256x128xf32, #tpu.memory_space<vmem>>, %arg10: memref<!tpu.dma_semaphore, #tpu.memory_space<semaphore_mem>>, %arg11: memref<!tpu.dma_semaphore, #tpu.memory_space<semaphore_mem>>) attributes {dimension_semantics = [#tpu.dimension_semantics<core_parallel>, #tpu.dimension_semantics<subcore_parallel>], iteration_bounds = array<i64: 2, 16>, scalar_prefetch = 0 : i64, scratch_operands = 5 : i64, tpu.core_type = #tpu.core_type<sc_vector_subcore>, window_params = [{transform_indices = #map}, {transform_indices = #map}, {transform_indices = #map1}, {transform_indices = #map}, {transform_indices = #map}]} {
    %mul3A = arith.constant 2 : i32
    %mul3A_0 = arith.muli %arg1, %mul3A : i32
    %add3A = arith.addi %mul3A_0, %arg0 : i32
    "tpu.region"() ({
      %run_scoped3A = tpu.sem_alloc : memref<!tpu.dma_semaphore, #tpu.memory_space<semaphore_mem>>
      %dma_start3A_167 = arith.constant 0 : i32
      %dma_start3A_168 = arith.constant 0 : i32
      %dma_start3A_169 = tpu.memref_slice %arg4[%add3A, %dma_start3A_167, %dma_start3A_168] : memref<32x8x128xi32, #tpu.memory_space<hbm>> -> memref<1x8x128xi32, #tpu.memory_space<hbm>>
      %dma_start3A_170 = tpu.memref_squeeze %dma_start3A_169 : memref<1x8x128xi32, #tpu.memory_space<hbm>> -> memref<8x128xi32, #tpu.memory_space<hbm>>
      %dma_start3A_171 = arith.constant 0 : i32
      %dma_start3A_172 = arith.constant 0 : i32
      %dma_start3A_173 = tpu.memref_slice %arg4[%add3A, %dma_start3A_171, %dma_start3A_172] : memref<32x8x128xi32, #tpu.memory_space<hbm>> -> memref<1x8x128xi32, #tpu.memory_space<hbm>>
      %dma_start3A_174 = tpu.memref_squeeze %dma_start3A_173 : memref<1x8x128xi32, #tpu.memory_space<hbm>> -> memref<8x128xi32, #tpu.memory_space<hbm>>
      tpu.enqueue_dma source(%dma_start3A_174 : memref<8x128xi32, #tpu.memory_space<hbm>>) target(%arg7 : memref<8x128xi32, #tpu.memory_space<vmem>>) target_semaphore(%run_scoped3A : memref<!tpu.dma_semaphore, #tpu.memory_space<semaphore_mem>>)
      %dma_wait3A_175 = arith.constant 0 : i32
      %dma_wait3A_176 = arith.constant 0 : i32
      %dma_wait3A_177 = tpu.memref_slice %arg4[%add3A, %dma_wait3A_175, %dma_wait3A_176] : memref<32x8x128xi32, #tpu.memory_space<hbm>> -> memref<1x8x128xi32, #tpu.memory_space<hbm>>
      %dma_wait3A_178 = tpu.memref_squeeze %dma_wait3A_177 : memref<1x8x128xi32, #tpu.memory_space<hbm>> -> memref<8x128xi32, #tpu.memory_space<hbm>>
      %dma_wait3A_179 = arith.constant 0 : i32
      %dma_wait3A_180 = arith.constant 0 : i32
      %dma_wait3A_181 = tpu.memref_slice %arg4[%add3A, %dma_wait3A_179, %dma_wait3A_180] : memref<32x8x128xi32, #tpu.memory_space<hbm>> -> memref<1x8x128xi32, #tpu.memory_space<hbm>>
      %dma_wait3A_182 = tpu.memref_squeeze %dma_wait3A_181 : memref<1x8x128xi32, #tpu.memory_space<hbm>> -> memref<8x128xi32, #tpu.memory_space<hbm>>
      tpu.wait_dma2 semaphore(%run_scoped3A : memref<!tpu.dma_semaphore, #tpu.memory_space<semaphore_mem>>) src(%dma_wait3A_182 : memref<8x128xi32, #tpu.memory_space<hbm>>) dst(%arg7 : memref<8x128xi32, #tpu.memory_space<vmem>>)
      tpu.yield
    }) : () -> ()
    %dma_start3A = arith.constant 0 : i32
    %dma_start3A_1 = arith.constant 0 : i32
    %dma_start3A_2 = arith.constant 0 : i32
    %dma_start3A_3 = tpu.memref_slice %arg8[%dma_start3A_1, %dma_start3A_2] : memref<256x128xf32, #tpu.memory_space<vmem>> -> memref<128x128xf32, #tpu.memory_space<vmem>>
    %dma_start3A_4 = arith.constant 0 : i32
    %dma_start3A_5 = tpu.memref_slice %arg7[%dma_start3A, %dma_start3A_4] : memref<8x128xi32, #tpu.memory_space<vmem>> -> memref<1x128xi32, #tpu.memory_space<vmem>>
    %dma_start3A_6 = tpu.memref_squeeze %dma_start3A_5 : memref<1x128xi32, #tpu.memory_space<vmem>> -> memref<128xi32, #tpu.memory_space<vmem>>
    %dma_start3A_7 = arith.constant 0 : i32
    %dma_start3A_8 = arith.constant 0 : i32
    %dma_start3A_9 = tpu.memref_slice %arg2[%dma_start3A_7, %dma_start3A_8] : memref<53248x128xf32, #tpu.memory_space<hbm>> -> memref<53248x128xf32, #tpu.memory_space<hbm>>
    tpu.enqueue_indirect_dma source(%dma_start3A_9 : memref<53248x128xf32, #tpu.memory_space<hbm>>) target(%dma_start3A_3 : memref<128x128xf32, #tpu.memory_space<vmem>>) offsets(%dma_start3A_6 : memref<128xi32, #tpu.memory_space<vmem>>) semaphore(%arg10 : memref<!tpu.dma_semaphore, #tpu.memory_space<semaphore_mem>>)
    %dma_start3A_10 = arith.constant 4 : i32
    %dma_start3A_11 = arith.constant 0 : i32
    %dma_start3A_12 = arith.constant 0 : i32
    %dma_start3A_13 = tpu.memref_slice %arg9[%dma_start3A_11, %dma_start3A_12] : memref<256x128xf32, #tpu.memory_space<vmem>> -> memref<128x128xf32, #tpu.memory_space<vmem>>
    %dma_start3A_14 = arith.constant 0 : i32
    %dma_start3A_15 = tpu.memref_slice %arg7[%dma_start3A_10, %dma_start3A_14] : memref<8x128xi32, #tpu.memory_space<vmem>> -> memref<1x128xi32, #tpu.memory_space<vmem>>
    %dma_start3A_16 = tpu.memref_squeeze %dma_start3A_15 : memref<1x128xi32, #tpu.memory_space<vmem>> -> memref<128xi32, #tpu.memory_space<vmem>>
    %dma_start3A_17 = arith.constant 0 : i32
    %dma_start3A_18 = arith.constant 0 : i32
    %dma_start3A_19 = tpu.memref_slice %arg3[%dma_start3A_17, %dma_start3A_18] : memref<53248x128xf32, #tpu.memory_space<hbm>> -> memref<53248x128xf32, #tpu.memory_space<hbm>>
    tpu.enqueue_indirect_dma source(%dma_start3A_19 : memref<53248x128xf32, #tpu.memory_space<hbm>>) target(%dma_start3A_13 : memref<128x128xf32, #tpu.memory_space<vmem>>) offsets(%dma_start3A_16 : memref<128xi32, #tpu.memory_space<vmem>>) semaphore(%arg11 : memref<!tpu.dma_semaphore, #tpu.memory_space<semaphore_mem>>)
    %dma_start3A_20 = arith.constant 1 : i32
    %dma_start3A_21 = arith.constant 128 : i32
    %dma_start3A_22 = arith.constant 0 : i32
    %dma_start3A_23 = tpu.memref_slice %arg8[%dma_start3A_21, %dma_start3A_22] : memref<256x128xf32, #tpu.memory_space<vmem>> -> memref<128x128xf32, #tpu.memory_space<vmem>>
    %dma_start3A_24 = arith.constant 0 : i32
    %dma_start3A_25 = tpu.memref_slice %arg7[%dma_start3A_20, %dma_start3A_24] : memref<8x128xi32, #tpu.memory_space<vmem>> -> memref<1x128xi32, #tpu.memory_space<vmem>>
    %dma_start3A_26 = tpu.memref_squeeze %dma_start3A_25 : memref<1x128xi32, #tpu.memory_space<vmem>> -> memref<128xi32, #tpu.memory_space<vmem>>
    %dma_start3A_27 = arith.constant 0 : i32
    %dma_start3A_28 = arith.constant 0 : i32
    %dma_start3A_29 = tpu.memref_slice %arg2[%dma_start3A_27, %dma_start3A_28] : memref<53248x128xf32, #tpu.memory_space<hbm>> -> memref<53248x128xf32, #tpu.memory_space<hbm>>
    tpu.enqueue_indirect_dma source(%dma_start3A_29 : memref<53248x128xf32, #tpu.memory_space<hbm>>) target(%dma_start3A_23 : memref<128x128xf32, #tpu.memory_space<vmem>>) offsets(%dma_start3A_26 : memref<128xi32, #tpu.memory_space<vmem>>) semaphore(%arg10 : memref<!tpu.dma_semaphore, #tpu.memory_space<semaphore_mem>>)
    %dma_start3A_30 = arith.constant 5 : i32
    %dma_start3A_31 = arith.constant 128 : i32
    %dma_start3A_32 = arith.constant 0 : i32
    %dma_start3A_33 = tpu.memref_slice %arg9[%dma_start3A_31, %dma_start3A_32] : memref<256x128xf32, #tpu.memory_space<vmem>> -> memref<128x128xf32, #tpu.memory_space<vmem>>
    %dma_start3A_34 = arith.constant 0 : i32
    %dma_start3A_35 = tpu.memref_slice %arg7[%dma_start3A_30, %dma_start3A_34] : memref<8x128xi32, #tpu.memory_space<vmem>> -> memref<1x128xi32, #tpu.memory_space<vmem>>
    %dma_start3A_36 = tpu.memref_squeeze %dma_start3A_35 : memref<1x128xi32, #tpu.memory_space<vmem>> -> memref<128xi32, #tpu.memory_space<vmem>>
    %dma_start3A_37 = arith.constant 0 : i32
    %dma_start3A_38 = arith.constant 0 : i32
    %dma_start3A_39 = tpu.memref_slice %arg3[%dma_start3A_37, %dma_start3A_38] : memref<53248x128xf32, #tpu.memory_space<hbm>> -> memref<53248x128xf32, #tpu.memory_space<hbm>>
    tpu.enqueue_indirect_dma source(%dma_start3A_39 : memref<53248x128xf32, #tpu.memory_space<hbm>>) target(%dma_start3A_33 : memref<128x128xf32, #tpu.memory_space<vmem>>) offsets(%dma_start3A_36 : memref<128xi32, #tpu.memory_space<vmem>>) semaphore(%arg11 : memref<!tpu.dma_semaphore, #tpu.memory_space<semaphore_mem>>)
    %dma_wait3A = arith.constant 0 : i32
    %dma_wait3A_40 = arith.constant 0 : i32
    %dma_wait3A_41 = arith.constant 0 : i32
    %dma_wait3A_42 = tpu.memref_slice %arg8[%dma_wait3A_40, %dma_wait3A_41] : memref<256x128xf32, #tpu.memory_space<vmem>> -> memref<128x128xf32, #tpu.memory_space<vmem>>
    %dma_wait3A_43 = arith.constant 0 : i32
    %dma_wait3A_44 = tpu.memref_slice %arg7[%dma_wait3A, %dma_wait3A_43] : memref<8x128xi32, #tpu.memory_space<vmem>> -> memref<1x128xi32, #tpu.memory_space<vmem>>
    %dma_wait3A_45 = tpu.memref_squeeze %dma_wait3A_44 : memref<1x128xi32, #tpu.memory_space<vmem>> -> memref<128xi32, #tpu.memory_space<vmem>>
    %dma_wait3A_46 = arith.constant 0 : i32
    %dma_wait3A_47 = arith.constant 0 : i32
    %dma_wait3A_48 = tpu.memref_slice %arg2[%dma_wait3A_46, %dma_wait3A_47] : memref<53248x128xf32, #tpu.memory_space<hbm>> -> memref<53248x128xf32, #tpu.memory_space<hbm>>
    tpu.wait_indirect_dma semaphore(%arg10 : memref<!tpu.dma_semaphore, #tpu.memory_space<semaphore_mem>>) src(%dma_wait3A_48 : memref<53248x128xf32, #tpu.memory_space<hbm>>) dst(%dma_wait3A_42 : memref<128x128xf32, #tpu.memory_space<vmem>>)
    %dma_wait3A_49 = arith.constant 4 : i32
    %dma_wait3A_50 = arith.constant 0 : i32
    %dma_wait3A_51 = arith.constant 0 : i32
    %dma_wait3A_52 = tpu.memref_slice %arg9[%dma_wait3A_50, %dma_wait3A_51] : memref<256x128xf32, #tpu.memory_space<vmem>> -> memref<128x128xf32, #tpu.memory_space<vmem>>
    %dma_wait3A_53 = arith.constant 0 : i32
    %dma_wait3A_54 = tpu.memref_slice %arg7[%dma_wait3A_49, %dma_wait3A_53] : memref<8x128xi32, #tpu.memory_space<vmem>> -> memref<1x128xi32, #tpu.memory_space<vmem>>
    %dma_wait3A_55 = tpu.memref_squeeze %dma_wait3A_54 : memref<1x128xi32, #tpu.memory_space<vmem>> -> memref<128xi32, #tpu.memory_space<vmem>>
    %dma_wait3A_56 = arith.constant 0 : i32
    %dma_wait3A_57 = arith.constant 0 : i32
    %dma_wait3A_58 = tpu.memref_slice %arg3[%dma_wait3A_56, %dma_wait3A_57] : memref<53248x128xf32, #tpu.memory_space<hbm>> -> memref<53248x128xf32, #tpu.memory_space<hbm>>
    tpu.wait_indirect_dma semaphore(%arg11 : memref<!tpu.dma_semaphore, #tpu.memory_space<semaphore_mem>>) src(%dma_wait3A_58 : memref<53248x128xf32, #tpu.memory_space<hbm>>) dst(%dma_wait3A_52 : memref<128x128xf32, #tpu.memory_space<vmem>>)
    %dma_wait3A_59 = arith.constant 1 : i32
    %dma_wait3A_60 = arith.constant 128 : i32
    %dma_wait3A_61 = arith.constant 0 : i32
    %dma_wait3A_62 = tpu.memref_slice %arg8[%dma_wait3A_60, %dma_wait3A_61] : memref<256x128xf32, #tpu.memory_space<vmem>> -> memref<128x128xf32, #tpu.memory_space<vmem>>
    %dma_wait3A_63 = arith.constant 0 : i32
    %dma_wait3A_64 = tpu.memref_slice %arg7[%dma_wait3A_59, %dma_wait3A_63] : memref<8x128xi32, #tpu.memory_space<vmem>> -> memref<1x128xi32, #tpu.memory_space<vmem>>
    %dma_wait3A_65 = tpu.memref_squeeze %dma_wait3A_64 : memref<1x128xi32, #tpu.memory_space<vmem>> -> memref<128xi32, #tpu.memory_space<vmem>>
    %dma_wait3A_66 = arith.constant 0 : i32
    %dma_wait3A_67 = arith.constant 0 : i32
    %dma_wait3A_68 = tpu.memref_slice %arg2[%dma_wait3A_66, %dma_wait3A_67] : memref<53248x128xf32, #tpu.memory_space<hbm>> -> memref<53248x128xf32, #tpu.memory_space<hbm>>
    tpu.wait_indirect_dma semaphore(%arg10 : memref<!tpu.dma_semaphore, #tpu.memory_space<semaphore_mem>>) src(%dma_wait3A_68 : memref<53248x128xf32, #tpu.memory_space<hbm>>) dst(%dma_wait3A_62 : memref<128x128xf32, #tpu.memory_space<vmem>>)
    %dma_wait3A_69 = arith.constant 5 : i32
    %dma_wait3A_70 = arith.constant 128 : i32
    %dma_wait3A_71 = arith.constant 0 : i32
    %dma_wait3A_72 = tpu.memref_slice %arg9[%dma_wait3A_70, %dma_wait3A_71] : memref<256x128xf32, #tpu.memory_space<vmem>> -> memref<128x128xf32, #tpu.memory_space<vmem>>
    %dma_wait3A_73 = arith.constant 0 : i32
    %dma_wait3A_74 = tpu.memref_slice %arg7[%dma_wait3A_69, %dma_wait3A_73] : memref<8x128xi32, #tpu.memory_space<vmem>> -> memref<1x128xi32, #tpu.memory_space<vmem>>
    %dma_wait3A_75 = tpu.memref_squeeze %dma_wait3A_74 : memref<1x128xi32, #tpu.memory_space<vmem>> -> memref<128xi32, #tpu.memory_space<vmem>>
    %dma_wait3A_76 = arith.constant 0 : i32
    %dma_wait3A_77 = arith.constant 0 : i32
    %dma_wait3A_78 = tpu.memref_slice %arg3[%dma_wait3A_76, %dma_wait3A_77] : memref<53248x128xf32, #tpu.memory_space<hbm>> -> memref<53248x128xf32, #tpu.memory_space<hbm>>
    tpu.wait_indirect_dma semaphore(%arg11 : memref<!tpu.dma_semaphore, #tpu.memory_space<semaphore_mem>>) src(%dma_wait3A_78 : memref<53248x128xf32, #tpu.memory_space<hbm>>) dst(%dma_wait3A_72 : memref<128x128xf32, #tpu.memory_space<vmem>>)
    %mul3A_79 = arith.constant 512 : i32
    %mul3A_80 = arith.muli %add3A, %mul3A_79 : i32
    %add3A_81 = arith.constant 0 : i32
    %add3A_82 = arith.addi %mul3A_80, %add3A_81 : i32
    "tpu.region"() ({
      %run_scoped3A = tpu.sem_alloc : memref<!tpu.dma_semaphore, #tpu.memory_space<semaphore_mem>>
      %dma_start3A_167 = arith.constant 0 : i32
      %dma_start3A_168 = tpu.memref_slice %arg5[%add3A_82, %dma_start3A_167] : memref<16384x128xf32, #tpu.memory_space<hbm>> -> memref<256x128xf32, #tpu.memory_space<hbm>>
      %dma_start3A_169 = arith.constant 0 : i32
      %dma_start3A_170 = tpu.memref_slice %arg5[%add3A_82, %dma_start3A_169] : memref<16384x128xf32, #tpu.memory_space<hbm>> -> memref<256x128xf32, #tpu.memory_space<hbm>>
      tpu.enqueue_dma source(%arg8 : memref<256x128xf32, #tpu.memory_space<vmem>>) target(%dma_start3A_170 : memref<256x128xf32, #tpu.memory_space<hbm>>) target_semaphore(%run_scoped3A : memref<!tpu.dma_semaphore, #tpu.memory_space<semaphore_mem>>)
      %dma_wait3A_171 = arith.constant 0 : i32
      %dma_wait3A_172 = tpu.memref_slice %arg5[%add3A_82, %dma_wait3A_171] : memref<16384x128xf32, #tpu.memory_space<hbm>> -> memref<256x128xf32, #tpu.memory_space<hbm>>
      %dma_wait3A_173 = arith.constant 0 : i32
      %dma_wait3A_174 = tpu.memref_slice %arg5[%add3A_82, %dma_wait3A_173] : memref<16384x128xf32, #tpu.memory_space<hbm>> -> memref<256x128xf32, #tpu.memory_space<hbm>>
      tpu.wait_dma2 semaphore(%run_scoped3A : memref<!tpu.dma_semaphore, #tpu.memory_space<semaphore_mem>>) src(%arg8 : memref<256x128xf32, #tpu.memory_space<vmem>>) dst(%dma_wait3A_174 : memref<256x128xf32, #tpu.memory_space<hbm>>)
      tpu.yield
    }) : () -> ()
    "tpu.region"() ({
      %run_scoped3A = tpu.sem_alloc : memref<!tpu.dma_semaphore, #tpu.memory_space<semaphore_mem>>
      %dma_start3A_167 = arith.constant 0 : i32
      %dma_start3A_168 = tpu.memref_slice %arg6[%add3A_82, %dma_start3A_167] : memref<16384x128xf32, #tpu.memory_space<hbm>> -> memref<256x128xf32, #tpu.memory_space<hbm>>
      %dma_start3A_169 = arith.constant 0 : i32
      %dma_start3A_170 = tpu.memref_slice %arg6[%add3A_82, %dma_start3A_169] : memref<16384x128xf32, #tpu.memory_space<hbm>> -> memref<256x128xf32, #tpu.memory_space<hbm>>
      tpu.enqueue_dma source(%arg9 : memref<256x128xf32, #tpu.memory_space<vmem>>) target(%dma_start3A_170 : memref<256x128xf32, #tpu.memory_space<hbm>>) target_semaphore(%run_scoped3A : memref<!tpu.dma_semaphore, #tpu.memory_space<semaphore_mem>>)
      %dma_wait3A_171 = arith.constant 0 : i32
      %dma_wait3A_172 = tpu.memref_slice %arg6[%add3A_82, %dma_wait3A_171] : memref<16384x128xf32, #tpu.memory_space<hbm>> -> memref<256x128xf32, #tpu.memory_space<hbm>>
      %dma_wait3A_173 = arith.constant 0 : i32
      %dma_wait3A_174 = tpu.memref_slice %arg6[%add3A_82, %dma_wait3A_173] : memref<16384x128xf32, #tpu.memory_space<hbm>> -> memref<256x128xf32, #tpu.memory_space<hbm>>
      tpu.wait_dma2 semaphore(%run_scoped3A : memref<!tpu.dma_semaphore, #tpu.memory_space<semaphore_mem>>) src(%arg9 : memref<256x128xf32, #tpu.memory_space<vmem>>) dst(%dma_wait3A_174 : memref<256x128xf32, #tpu.memory_space<hbm>>)
      tpu.yield
    }) : () -> ()
    %dma_start3A_83 = arith.constant 2 : i32
    %dma_start3A_84 = arith.constant 0 : i32
    %dma_start3A_85 = arith.constant 0 : i32
    %dma_start3A_86 = tpu.memref_slice %arg8[%dma_start3A_84, %dma_start3A_85] : memref<256x128xf32, #tpu.memory_space<vmem>> -> memref<128x128xf32, #tpu.memory_space<vmem>>
    %dma_start3A_87 = arith.constant 0 : i32
    %dma_start3A_88 = tpu.memref_slice %arg7[%dma_start3A_83, %dma_start3A_87] : memref<8x128xi32, #tpu.memory_space<vmem>> -> memref<1x128xi32, #tpu.memory_space<vmem>>
    %dma_start3A_89 = tpu.memref_squeeze %dma_start3A_88 : memref<1x128xi32, #tpu.memory_space<vmem>> -> memref<128xi32, #tpu.memory_space<vmem>>
    %dma_start3A_90 = arith.constant 0 : i32
    %dma_start3A_91 = arith.constant 0 : i32
    %dma_start3A_92 = tpu.memref_slice %arg2[%dma_start3A_90, %dma_start3A_91] : memref<53248x128xf32, #tpu.memory_space<hbm>> -> memref<53248x128xf32, #tpu.memory_space<hbm>>
    tpu.enqueue_indirect_dma source(%dma_start3A_92 : memref<53248x128xf32, #tpu.memory_space<hbm>>) target(%dma_start3A_86 : memref<128x128xf32, #tpu.memory_space<vmem>>) offsets(%dma_start3A_89 : memref<128xi32, #tpu.memory_space<vmem>>) semaphore(%arg10 : memref<!tpu.dma_semaphore, #tpu.memory_space<semaphore_mem>>)
    %dma_start3A_93 = arith.constant 6 : i32
    %dma_start3A_94 = arith.constant 0 : i32
    %dma_start3A_95 = arith.constant 0 : i32
    %dma_start3A_96 = tpu.memref_slice %arg9[%dma_start3A_94, %dma_start3A_95] : memref<256x128xf32, #tpu.memory_space<vmem>> -> memref<128x128xf32, #tpu.memory_space<vmem>>
    %dma_start3A_97 = arith.constant 0 : i32
    %dma_start3A_98 = tpu.memref_slice %arg7[%dma_start3A_93, %dma_start3A_97] : memref<8x128xi32, #tpu.memory_space<vmem>> -> memref<1x128xi32, #tpu.memory_space<vmem>>
    %dma_start3A_99 = tpu.memref_squeeze %dma_start3A_98 : memref<1x128xi32, #tpu.memory_space<vmem>> -> memref<128xi32, #tpu.memory_space<vmem>>
    %dma_start3A_100 = arith.constant 0 : i32
    %dma_start3A_101 = arith.constant 0 : i32
    %dma_start3A_102 = tpu.memref_slice %arg3[%dma_start3A_100, %dma_start3A_101] : memref<53248x128xf32, #tpu.memory_space<hbm>> -> memref<53248x128xf32, #tpu.memory_space<hbm>>
    tpu.enqueue_indirect_dma source(%dma_start3A_102 : memref<53248x128xf32, #tpu.memory_space<hbm>>) target(%dma_start3A_96 : memref<128x128xf32, #tpu.memory_space<vmem>>) offsets(%dma_start3A_99 : memref<128xi32, #tpu.memory_space<vmem>>) semaphore(%arg11 : memref<!tpu.dma_semaphore, #tpu.memory_space<semaphore_mem>>)
    %dma_start3A_103 = arith.constant 3 : i32
    %dma_start3A_104 = arith.constant 128 : i32
    %dma_start3A_105 = arith.constant 0 : i32
    %dma_start3A_106 = tpu.memref_slice %arg8[%dma_start3A_104, %dma_start3A_105] : memref<256x128xf32, #tpu.memory_space<vmem>> -> memref<128x128xf32, #tpu.memory_space<vmem>>
    %dma_start3A_107 = arith.constant 0 : i32
    %dma_start3A_108 = tpu.memref_slice %arg7[%dma_start3A_103, %dma_start3A_107] : memref<8x128xi32, #tpu.memory_space<vmem>> -> memref<1x128xi32, #tpu.memory_space<vmem>>
    %dma_start3A_109 = tpu.memref_squeeze %dma_start3A_108 : memref<1x128xi32, #tpu.memory_space<vmem>> -> memref<128xi32, #tpu.memory_space<vmem>>
    %dma_start3A_110 = arith.constant 0 : i32
    %dma_start3A_111 = arith.constant 0 : i32
    %dma_start3A_112 = tpu.memref_slice %arg2[%dma_start3A_110, %dma_start3A_111] : memref<53248x128xf32, #tpu.memory_space<hbm>> -> memref<53248x128xf32, #tpu.memory_space<hbm>>
    tpu.enqueue_indirect_dma source(%dma_start3A_112 : memref<53248x128xf32, #tpu.memory_space<hbm>>) target(%dma_start3A_106 : memref<128x128xf32, #tpu.memory_space<vmem>>) offsets(%dma_start3A_109 : memref<128xi32, #tpu.memory_space<vmem>>) semaphore(%arg10 : memref<!tpu.dma_semaphore, #tpu.memory_space<semaphore_mem>>)
    %dma_start3A_113 = arith.constant 7 : i32
    %dma_start3A_114 = arith.constant 128 : i32
    %dma_start3A_115 = arith.constant 0 : i32
    %dma_start3A_116 = tpu.memref_slice %arg9[%dma_start3A_114, %dma_start3A_115] : memref<256x128xf32, #tpu.memory_space<vmem>> -> memref<128x128xf32, #tpu.memory_space<vmem>>
    %dma_start3A_117 = arith.constant 0 : i32
    %dma_start3A_118 = tpu.memref_slice %arg7[%dma_start3A_113, %dma_start3A_117] : memref<8x128xi32, #tpu.memory_space<vmem>> -> memref<1x128xi32, #tpu.memory_space<vmem>>
    %dma_start3A_119 = tpu.memref_squeeze %dma_start3A_118 : memref<1x128xi32, #tpu.memory_space<vmem>> -> memref<128xi32, #tpu.memory_space<vmem>>
    %dma_start3A_120 = arith.constant 0 : i32
    %dma_start3A_121 = arith.constant 0 : i32
    %dma_start3A_122 = tpu.memref_slice %arg3[%dma_start3A_120, %dma_start3A_121] : memref<53248x128xf32, #tpu.memory_space<hbm>> -> memref<53248x128xf32, #tpu.memory_space<hbm>>
    tpu.enqueue_indirect_dma source(%dma_start3A_122 : memref<53248x128xf32, #tpu.memory_space<hbm>>) target(%dma_start3A_116 : memref<128x128xf32, #tpu.memory_space<vmem>>) offsets(%dma_start3A_119 : memref<128xi32, #tpu.memory_space<vmem>>) semaphore(%arg11 : memref<!tpu.dma_semaphore, #tpu.memory_space<semaphore_mem>>)
    %dma_wait3A_123 = arith.constant 2 : i32
    %dma_wait3A_124 = arith.constant 0 : i32
    %dma_wait3A_125 = arith.constant 0 : i32
    %dma_wait3A_126 = tpu.memref_slice %arg8[%dma_wait3A_124, %dma_wait3A_125] : memref<256x128xf32, #tpu.memory_space<vmem>> -> memref<128x128xf32, #tpu.memory_space<vmem>>
    %dma_wait3A_127 = arith.constant 0 : i32
    %dma_wait3A_128 = tpu.memref_slice %arg7[%dma_wait3A_123, %dma_wait3A_127] : memref<8x128xi32, #tpu.memory_space<vmem>> -> memref<1x128xi32, #tpu.memory_space<vmem>>
    %dma_wait3A_129 = tpu.memref_squeeze %dma_wait3A_128 : memref<1x128xi32, #tpu.memory_space<vmem>> -> memref<128xi32, #tpu.memory_space<vmem>>
    %dma_wait3A_130 = arith.constant 0 : i32
    %dma_wait3A_131 = arith.constant 0 : i32
    %dma_wait3A_132 = tpu.memref_slice %arg2[%dma_wait3A_130, %dma_wait3A_131] : memref<53248x128xf32, #tpu.memory_space<hbm>> -> memref<53248x128xf32, #tpu.memory_space<hbm>>
    tpu.wait_indirect_dma semaphore(%arg10 : memref<!tpu.dma_semaphore, #tpu.memory_space<semaphore_mem>>) src(%dma_wait3A_132 : memref<53248x128xf32, #tpu.memory_space<hbm>>) dst(%dma_wait3A_126 : memref<128x128xf32, #tpu.memory_space<vmem>>)
    %dma_wait3A_133 = arith.constant 6 : i32
    %dma_wait3A_134 = arith.constant 0 : i32
    %dma_wait3A_135 = arith.constant 0 : i32
    %dma_wait3A_136 = tpu.memref_slice %arg9[%dma_wait3A_134, %dma_wait3A_135] : memref<256x128xf32, #tpu.memory_space<vmem>> -> memref<128x128xf32, #tpu.memory_space<vmem>>
    %dma_wait3A_137 = arith.constant 0 : i32
    %dma_wait3A_138 = tpu.memref_slice %arg7[%dma_wait3A_133, %dma_wait3A_137] : memref<8x128xi32, #tpu.memory_space<vmem>> -> memref<1x128xi32, #tpu.memory_space<vmem>>
    %dma_wait3A_139 = tpu.memref_squeeze %dma_wait3A_138 : memref<1x128xi32, #tpu.memory_space<vmem>> -> memref<128xi32, #tpu.memory_space<vmem>>
    %dma_wait3A_140 = arith.constant 0 : i32
    %dma_wait3A_141 = arith.constant 0 : i32
    %dma_wait3A_142 = tpu.memref_slice %arg3[%dma_wait3A_140, %dma_wait3A_141] : memref<53248x128xf32, #tpu.memory_space<hbm>> -> memref<53248x128xf32, #tpu.memory_space<hbm>>
    tpu.wait_indirect_dma semaphore(%arg11 : memref<!tpu.dma_semaphore, #tpu.memory_space<semaphore_mem>>) src(%dma_wait3A_142 : memref<53248x128xf32, #tpu.memory_space<hbm>>) dst(%dma_wait3A_136 : memref<128x128xf32, #tpu.memory_space<vmem>>)
    %dma_wait3A_143 = arith.constant 3 : i32
    %dma_wait3A_144 = arith.constant 128 : i32
    %dma_wait3A_145 = arith.constant 0 : i32
    %dma_wait3A_146 = tpu.memref_slice %arg8[%dma_wait3A_144, %dma_wait3A_145] : memref<256x128xf32, #tpu.memory_space<vmem>> -> memref<128x128xf32, #tpu.memory_space<vmem>>
    %dma_wait3A_147 = arith.constant 0 : i32
    %dma_wait3A_148 = tpu.memref_slice %arg7[%dma_wait3A_143, %dma_wait3A_147] : memref<8x128xi32, #tpu.memory_space<vmem>> -> memref<1x128xi32, #tpu.memory_space<vmem>>
    %dma_wait3A_149 = tpu.memref_squeeze %dma_wait3A_148 : memref<1x128xi32, #tpu.memory_space<vmem>> -> memref<128xi32, #tpu.memory_space<vmem>>
    %dma_wait3A_150 = arith.constant 0 : i32
    %dma_wait3A_151 = arith.constant 0 : i32
    %dma_wait3A_152 = tpu.memref_slice %arg2[%dma_wait3A_150, %dma_wait3A_151] : memref<53248x128xf32, #tpu.memory_space<hbm>> -> memref<53248x128xf32, #tpu.memory_space<hbm>>
    tpu.wait_indirect_dma semaphore(%arg10 : memref<!tpu.dma_semaphore, #tpu.memory_space<semaphore_mem>>) src(%dma_wait3A_152 : memref<53248x128xf32, #tpu.memory_space<hbm>>) dst(%dma_wait3A_146 : memref<128x128xf32, #tpu.memory_space<vmem>>)
    %dma_wait3A_153 = arith.constant 7 : i32
    %dma_wait3A_154 = arith.constant 128 : i32
    %dma_wait3A_155 = arith.constant 0 : i32
    %dma_wait3A_156 = tpu.memref_slice %arg9[%dma_wait3A_154, %dma_wait3A_155] : memref<256x128xf32, #tpu.memory_space<vmem>> -> memref<128x128xf32, #tpu.memory_space<vmem>>
    %dma_wait3A_157 = arith.constant 0 : i32
    %dma_wait3A_158 = tpu.memref_slice %arg7[%dma_wait3A_153, %dma_wait3A_157] : memref<8x128xi32, #tpu.memory_space<vmem>> -> memref<1x128xi32, #tpu.memory_space<vmem>>
    %dma_wait3A_159 = tpu.memref_squeeze %dma_wait3A_158 : memref<1x128xi32, #tpu.memory_space<vmem>> -> memref<128xi32, #tpu.memory_space<vmem>>
    %dma_wait3A_160 = arith.constant 0 : i32
    %dma_wait3A_161 = arith.constant 0 : i32
    %dma_wait3A_162 = tpu.memref_slice %arg3[%dma_wait3A_160, %dma_wait3A_161] : memref<53248x128xf32, #tpu.memory_space<hbm>> -> memref<53248x128xf32, #tpu.memory_space<hbm>>
    tpu.wait_indirect_dma semaphore(%arg11 : memref<!tpu.dma_semaphore, #tpu.memory_space<semaphore_mem>>) src(%dma_wait3A_162 : memref<53248x128xf32, #tpu.memory_space<hbm>>) dst(%dma_wait3A_156 : memref<128x128xf32, #tpu.memory_space<vmem>>)
    %mul3A_163 = arith.constant 512 : i32
    %mul3A_164 = arith.muli %add3A, %mul3A_163 : i32
    %add3A_165 = arith.constant 256 : i32
    %add3A_166 = arith.addi %mul3A_164, %add3A_165 : i32
    "tpu.region"() ({
      %run_scoped3A = tpu.sem_alloc : memref<!tpu.dma_semaphore, #tpu.memory_space<semaphore_mem>>
      %dma_start3A_167 = arith.constant 0 : i32
      %dma_start3A_168 = tpu.memref_slice %arg5[%add3A_166, %dma_start3A_167] : memref<16384x128xf32, #tpu.memory_space<hbm>> -> memref<256x128xf32, #tpu.memory_space<hbm>>
      %dma_start3A_169 = arith.constant 0 : i32
      %dma_start3A_170 = tpu.memref_slice %arg5[%add3A_166, %dma_start3A_169] : memref<16384x128xf32, #tpu.memory_space<hbm>> -> memref<256x128xf32, #tpu.memory_space<hbm>>
      tpu.enqueue_dma source(%arg8 : memref<256x128xf32, #tpu.memory_space<vmem>>) target(%dma_start3A_170 : memref<256x128xf32, #tpu.memory_space<hbm>>) target_semaphore(%run_scoped3A : memref<!tpu.dma_semaphore, #tpu.memory_space<semaphore_mem>>)
      %dma_wait3A_171 = arith.constant 0 : i32
      %dma_wait3A_172 = tpu.memref_slice %arg5[%add3A_166, %dma_wait3A_171] : memref<16384x128xf32, #tpu.memory_space<hbm>> -> memref<256x128xf32, #tpu.memory_space<hbm>>
      %dma_wait3A_173 = arith.constant 0 : i32
      %dma_wait3A_174 = tpu.memref_slice %arg5[%add3A_166, %dma_wait3A_173] : memref<16384x128xf32, #tpu.memory_space<hbm>> -> memref<256x128xf32, #tpu.memory_space<hbm>>
      tpu.wait_dma2 semaphore(%run_scoped3A : memref<!tpu.dma_semaphore, #tpu.memory_space<semaphore_mem>>) src(%arg8 : memref<256x128xf32, #tpu.memory_space<vmem>>) dst(%dma_wait3A_174 : memref<256x128xf32, #tpu.memory_space<hbm>>)
      tpu.yield
    }) : () -> ()
    "tpu.region"() ({
      %run_scoped3A = tpu.sem_alloc : memref<!tpu.dma_semaphore, #tpu.memory_space<semaphore_mem>>
      %dma_start3A_167 = arith.constant 0 : i32
      %dma_start3A_168 = tpu.memref_slice %arg6[%add3A_166, %dma_start3A_167] : memref<16384x128xf32, #tpu.memory_space<hbm>> -> memref<256x128xf32, #tpu.memory_space<hbm>>
      %dma_start3A_169 = arith.constant 0 : i32
      %dma_start3A_170 = tpu.memref_slice %arg6[%add3A_166, %dma_start3A_169] : memref<16384x128xf32, #tpu.memory_space<hbm>> -> memref<256x128xf32, #tpu.memory_space<hbm>>
      tpu.enqueue_dma source(%arg9 : memref<256x128xf32, #tpu.memory_space<vmem>>) target(%dma_start3A_170 : memref<256x128xf32, #tpu.memory_space<hbm>>) target_semaphore(%run_scoped3A : memref<!tpu.dma_semaphore, #tpu.memory_space<semaphore_mem>>)
      %dma_wait3A_171 = arith.constant 0 : i32
      %dma_wait3A_172 = tpu.memref_slice %arg6[%add3A_166, %dma_wait3A_171] : memref<16384x128xf32, #tpu.memory_space<hbm>> -> memref<256x128xf32, #tpu.memory_space<hbm>>
      %dma_wait3A_173 = arith.constant 0 : i32
      %dma_wait3A_174 = tpu.memref_slice %arg6[%add3A_166, %dma_wait3A_173] : memref<16384x128xf32, #tpu.memory_space<hbm>> -> memref<256x128xf32, #tpu.memory_space<hbm>>
      tpu.wait_dma2 semaphore(%run_scoped3A : memref<!tpu.dma_semaphore, #tpu.memory_space<semaphore_mem>>) src(%arg9 : memref<256x128xf32, #tpu.memory_space<vmem>>) dst(%dma_wait3A_174 : memref<256x128xf32, #tpu.memory_space<hbm>>)
      tpu.yield
    }) : () -> ()
    return
  }
}

module attributes {stable_mosaic.version = 14 : i64} {
  func.func @_prep_body(%arg0: i32, %arg1: memref<64x8192xf32, #tpu.memory_space<vmem>>, %arg2: memref<64x8192xf32, #tpu.memory_space<vmem>>, %arg3: memref<4096x128xf32, #tpu.memory_space<vmem>>, %arg4: memref<4096x128xf32, #tpu.memory_space<vmem>>) attributes {dimension_semantics = [#tpu.dimension_semantics<arbitrary>], iteration_bounds = array<i64: 13>, scalar_prefetch = 0 : i64, scratch_operands = 0 : i64, tpu.core_type = #tpu.core_type<tc>, window_params = [{transform_indices = @transform_0, window_bounds = array<i64: 64, 8192>}, {transform_indices = @transform_1, window_bounds = array<i64: 64, 8192>}, {transform_indices = @transform_2, window_bounds = array<i64: 4096, 128>}, {transform_indices = @transform_3, window_bounds = array<i64: 4096, 128>}]} {
    %get3A = arith.constant 0 : index
    %get3A_0 = arith.constant 0 : index
    %get3A_1 = vector.load %arg1[%get3A, %get3A_0] : memref<64x8192xf32, #tpu.memory_space<vmem>>, vector<64x8192xf32>
    %get3A_2 = arith.constant 0 : index
    %get3A_3 = arith.constant 0 : index
    %get3A_4 = vector.load %arg2[%get3A_2, %get3A_3] : memref<64x8192xf32, #tpu.memory_space<vmem>>, vector<64x8192xf32>
    %slice3A = vector.extract_strided_slice %get3A_1 {offsets = [0, 0], sizes = [64, 4096], strides = [1, 1]} : vector<64x8192xf32> to vector<64x4096xf32>
    %transpose3A = tpu.transpose %slice3A, [1, 0] : vector<64x4096xf32> -> vector<4096x64xf32>
    %slice3A_5 = vector.extract_strided_slice %get3A_1 {offsets = [0, 4096], sizes = [64, 4096], strides = [1, 1]} : vector<64x8192xf32> to vector<64x4096xf32>
    %transpose3A_6 = tpu.transpose %slice3A_5, [1, 0] : vector<64x4096xf32> -> vector<4096x64xf32>
    %concatenate3A = tpu.concatenate %transpose3A, %transpose3A_6 in 1 : vector<4096x64xf32>, vector<4096x64xf32> -> vector<4096x128xf32>
    %swap3A = arith.constant 0 : index
    %swap3A_7 = arith.constant 0 : index
    %swap3A_8 = vector.load %arg3[%swap3A, %swap3A_7] : memref<4096x128xf32, #tpu.memory_space<vmem>>, vector<4096x128xf32>
    tpu.vector_store %arg3[%swap3A, %swap3A_7], %concatenate3A {strides = array<i32>} : memref<4096x128xf32, #tpu.memory_space<vmem>>, vector<4096x128xf32>,
    %slice3A_9 = vector.extract_strided_slice %get3A_4 {offsets = [0, 0], sizes = [64, 4096], strides = [1, 1]} : vector<64x8192xf32> to vector<64x4096xf32>
    %transpose3A_10 = tpu.transpose %slice3A_9, [1, 0] : vector<64x4096xf32> -> vector<4096x64xf32>
    %slice3A_11 = vector.extract_strided_slice %get3A_4 {offsets = [0, 4096], sizes = [64, 4096], strides = [1, 1]} : vector<64x8192xf32> to vector<64x4096xf32>
    %transpose3A_12 = tpu.transpose %slice3A_11, [1, 0] : vector<64x4096xf32> -> vector<4096x64xf32>
    %concatenate3A_13 = tpu.concatenate %transpose3A_10, %transpose3A_12 in 1 : vector<4096x64xf32>, vector<4096x64xf32> -> vector<4096x128xf32>
    %swap3A_14 = arith.constant 0 : index
    %swap3A_15 = arith.constant 0 : index
    %swap3A_16 = vector.load %arg4[%swap3A_14, %swap3A_15] : memref<4096x128xf32, #tpu.memory_space<vmem>>, vector<4096x128xf32>
    tpu.vector_store %arg4[%swap3A_14, %swap3A_15], %concatenate3A_13 {strides = array<i32>} : memref<4096x128xf32, #tpu.memory_space<vmem>>, vector<4096x128xf32>,
    return
  }
  func.func @transform_0(%arg0: i32) -> (i32, i32) {
    %c0_i32 = arith.constant 0 : i32
    %c0_i32_0 = arith.constant 0 : i32
    return %c0_i32, %arg0 : i32, i32
  }
  func.func @transform_1(%arg0: i32) -> (i32, i32) {
    %c0_i32 = arith.constant 0 : i32
    %c0_i32_0 = arith.constant 0 : i32
    return %c0_i32, %arg0 : i32, i32
  }
  func.func @transform_2(%arg0: i32) -> (i32, i32) {
    %c0_i32 = arith.constant 0 : i32
    %c0_i32_0 = arith.constant 0 : i32
    return %arg0, %c0_i32 : i32, i32
  }
  func.func @transform_3(%arg0: i32) -> (i32, i32) {
    %c0_i32 = arith.constant 0 : i32
    %c0_i32_0 = arith.constant 0 : i32
    return %arg0, %c0_i32 : i32, i32
  }
}

module attributes {stable_mosaic.version = 14 : i64} {
  func.func @_tc_dense_body(%arg0: i32, %arg1: memref<2048x128xf32, #tpu.memory_space<vmem>>, %arg2: memref<2048x128xf32, #tpu.memory_space<vmem>>, %arg3: memref<2048x3xf32, #tpu.memory_space<vmem>>, %arg4: memref<2048x1xi32, #tpu.memory_space<vmem>>, %arg5: memref<2048x1xi32, #tpu.memory_space<vmem>>, %arg6: memref<1x3xf32, #tpu.memory_space<vmem>>, %arg7: memref<1x3xf32, #tpu.memory_space<vmem>>, %arg8: memref<3x128xf32, #tpu.memory_space<vmem>>, %arg9: memref<1x128xf32, #tpu.memory_space<vmem>>, %arg10: memref<1x128xf32, #tpu.memory_space<vmem>>, %arg11: memref<1x128xf32, #tpu.memory_space<vmem>>, %arg12: memref<128x128xf32, #tpu.memory_space<vmem>>, %arg13: memref<1x128xf32, #tpu.memory_space<vmem>>, %arg14: memref<128x128xf32, #tpu.memory_space<vmem>>, %arg15: memref<1x128xf32, #tpu.memory_space<vmem>>, %arg16: memref<128x128xf32, #tpu.memory_space<vmem>>, %arg17: memref<128x128xf32, #tpu.memory_space<vmem>>, %arg18: memref<1x128xf32, #tpu.memory_space<vmem>>, %arg19: memref<1x128xf32, #tpu.memory_space<vmem>>, %arg20: memref<1x128xf32, #tpu.memory_space<vmem>>, %arg21: memref<2048x128xf32, #tpu.memory_space<vmem>>) attributes {dimension_semantics = [#tpu.dimension_semantics<arbitrary>], iteration_bounds = array<i64: 8>, scalar_prefetch = 0 : i64, scratch_operands = 0 : i64, tpu.core_type = #tpu.core_type<tc>, window_params = [{transform_indices = @transform_0, window_bounds = array<i64: 2048, 128>}, {transform_indices = @transform_1, window_bounds = array<i64: 2048, 128>}, {transform_indices = @transform_2, window_bounds = array<i64: 2048, 3>}, {transform_indices = @transform_3, window_bounds = array<i64: 2048, 1>}, {transform_indices = @transform_4, window_bounds = array<i64: 2048, 1>}, {pipeline_mode = #tpu.pipeline_mode<synchronous>, transform_indices = @transform_5, window_bounds = array<i64: 1, 3>}, {pipeline_mode = #tpu.pipeline_mode<synchronous>, transform_indices = @transform_6, window_bounds = array<i64: 1, 3>}, {pipeline_mode = #tpu.pipeline_mode<synchronous>, transform_indices = @transform_7, window_bounds = array<i64: 3, 128>}, {pipeline_mode = #tpu.pipeline_mode<synchronous>, transform_indices = @transform_8, window_bounds = array<i64: 1, 128>}, {pipeline_mode = #tpu.pipeline_mode<synchronous>, transform_indices = @transform_9, window_bounds = array<i64: 1, 128>}, {pipeline_mode = #tpu.pipeline_mode<synchronous>, transform_indices = @transform_10, window_bounds = array<i64: 1, 128>}, {pipeline_mode = #tpu.pipeline_mode<synchronous>, transform_indices = @transform_11, window_bounds = array<i64: 128, 128>}, {pipeline_mode = #tpu.pipeline_mode<synchronous>, transform_indices = @transform_12, window_bounds = array<i64: 1, 128>}, {pipeline_mode = #tpu.pipeline_mode<synchronous>, transform_indices = @transform_13, window_bounds = array<i64: 128, 128>}, {pipeline_mode = #tpu.pipeline_mode<synchronous>, transform_indices = @transform_14, window_bounds = array<i64: 1, 128>}, {pipeline_mode = #tpu.pipeline_mode<synchronous>, transform_indices = @transform_15, window_bounds = array<i64: 128, 128>}, {pipeline_mode = #tpu.pipeline_mode<synchronous>, transform_indices = @transform_16, window_bounds = array<i64: 128, 128>}, {pipeline_mode = #tpu.pipeline_mode<synchronous>, transform_indices = @transform_17, window_bounds = array<i64: 1, 128>}, {pipeline_mode = #tpu.pipeline_mode<synchronous>, transform_indices = @transform_18, window_bounds = array<i64: 1, 128>}, {pipeline_mode = #tpu.pipeline_mode<synchronous>, transform_indices = @transform_19, window_bounds = array<i64: 1, 128>}, {transform_indices = @transform_20, window_bounds = array<i64: 2048, 128>}]} {
    %get3A = arith.constant 0 : index
    %get3A_0 = arith.constant 0 : index
    %get3A_1 = vector.load %arg3[%get3A, %get3A_0] : memref<2048x3xf32, #tpu.memory_space<vmem>>, vector<2048x3xf32>
    %max3A = arith.constant 0.000000e+00 : f32
    %max3A_2 = vector.broadcast %max3A : f32 to vector<2048x3xf32>
    %max3A_3 = arith.maximumf %get3A_1, %max3A_2 : vector<2048x3xf32>
    %add3A = arith.constant 1.000000e+00 : f32
    %add3A_4 = vector.broadcast %add3A : f32 to vector<2048x3xf32>
    %add3A_5 = arith.addf %add3A_4, %max3A_3 : vector<2048x3xf32>
    %log3A = math.log %add3A_5 : vector<2048x3xf32>
    %reduce_sum3A = arith.constant dense<0.000000e+00> : vector<2048xf32>
    %reduce_sum3A_6 = vector.multi_reduction <add>, %log3A, %reduce_sum3A [1] : vector<2048x3xf32> to vector<2048xf32>
    %broadcast_in_dim3A = vector.shape_cast %reduce_sum3A_6 : vector<2048xf32> to vector<2048x1xf32>
    %div3A = arith.constant 3.000000e+00 : f32
    %div3A_7 = vector.broadcast %div3A : f32 to vector<2048x1xf32>
    %div3A_8 = arith.divf %broadcast_in_dim3A, %div3A_7 : vector<2048x1xf32>
    %sub3A = vector.broadcast %div3A_8 : vector<2048x1xf32> to vector<2048x3xf32>
    %sub3A_9 = arith.subf %log3A, %sub3A : vector<2048x3xf32>
    %integer_pow3A = arith.mulf %sub3A_9, %sub3A_9 : vector<2048x3xf32>
    %reduce_sum3A_10 = arith.constant dense<0.000000e+00> : vector<2048xf32>
    %reduce_sum3A_11 = vector.multi_reduction <add>, %integer_pow3A, %reduce_sum3A_10 [1] : vector<2048x3xf32> to vector<2048xf32>
    %broadcast_in_dim3A_12 = vector.shape_cast %reduce_sum3A_11 : vector<2048xf32> to vector<2048x1xf32>
    %div3A_13 = arith.constant 3.000000e+00 : f32
    %div3A_14 = vector.broadcast %div3A_13 : f32 to vector<2048x1xf32>
    %div3A_15 = arith.divf %broadcast_in_dim3A_12, %div3A_14 : vector<2048x1xf32>
    %sub3A_16 = vector.broadcast %div3A_8 : vector<2048x1xf32> to vector<2048x3xf32>
    %sub3A_17 = arith.subf %log3A, %sub3A_16 : vector<2048x3xf32>
    %add3A_18 = arith.constant 9.99999974E-6 : f32
    %add3A_19 = vector.broadcast %add3A_18 : f32 to vector<2048x1xf32>
    %add3A_20 = arith.addf %div3A_15, %add3A_19 : vector<2048x1xf32>
    %rsqrt3A = math.rsqrt %add3A_20 : vector<2048x1xf32>
    %mul3A = vector.broadcast %rsqrt3A : vector<2048x1xf32> to vector<2048x3xf32>
    %mul3A_21 = arith.mulf %sub3A_17, %mul3A : vector<2048x3xf32>
    %get3A_22 = arith.constant 0 : index
    %get3A_23 = arith.constant 0 : index
    %get3A_24 = vector.load %arg6[%get3A_22, %get3A_23] : memref<1x3xf32, #tpu.memory_space<vmem>>, vector<1x3xf32>
    %mul3A_25 = vector.broadcast %get3A_24 : vector<1x3xf32> to vector<2048x3xf32>
    %mul3A_26 = arith.mulf %mul3A_21, %mul3A_25 : vector<2048x3xf32>
    %get3A_27 = arith.constant 0 : index
    %get3A_28 = arith.constant 0 : index
    %get3A_29 = vector.load %arg7[%get3A_27, %get3A_28] : memref<1x3xf32, #tpu.memory_space<vmem>>, vector<1x3xf32>
    %add3A_30 = vector.broadcast %get3A_29 : vector<1x3xf32> to vector<2048x3xf32>
    %add3A_31 = arith.addf %mul3A_26, %add3A_30 : vector<2048x3xf32>
    %get3A_32 = arith.constant 0 : index
    %get3A_33 = arith.constant 0 : index
    %get3A_34 = vector.load %arg8[%get3A_32, %get3A_33] : memref<3x128xf32, #tpu.memory_space<vmem>>, vector<3x128xf32>
    %dot_general3A = arith.constant dense<0.000000e+00> : vector<2048x128xf32>
    %dot_general3A_35 = tpu.matmul %add3A_31, %get3A_34, %dot_general3A {dimension_numbers = #tpu.dot_dimension_numbers<[1], [0], [0], [1], [0, 0, 1, 1], [], []>, transpose_lhs_hint = false} : vector<2048x3xf32>, vector<3x128xf32>, vector<2048x128xf32> -> vector<2048x128xf32>
    %get3A_36 = arith.constant 0 : index
    %get3A_37 = arith.constant 0 : index
    %get3A_38 = vector.load %arg9[%get3A_36, %get3A_37] : memref<1x128xf32, #tpu.memory_space<vmem>>, vector<1x128xf32>
    %add3A_39 = vector.broadcast %get3A_38 : vector<1x128xf32> to vector<2048x128xf32>
    %add3A_40 = arith.addf %dot_general3A_35, %add3A_39 : vector<2048x128xf32>
    %max3A_41 = arith.constant 0.000000e+00 : f32
    %max3A_42 = vector.broadcast %max3A_41 : f32 to vector<2048x128xf32>
    %max3A_43 = arith.maximumf %add3A_40, %max3A_42 : vector<2048x128xf32>
    %reduce_sum3A_44 = arith.constant dense<0.000000e+00> : vector<2048xf32>
    %reduce_sum3A_45 = vector.multi_reduction <add>, %max3A_43, %reduce_sum3A_44 [1] : vector<2048x128xf32> to vector<2048xf32>
    %broadcast_in_dim3A_46 = vector.shape_cast %reduce_sum3A_45 : vector<2048xf32> to vector<2048x1xf32>
    %div3A_47 = arith.constant 1.280000e+02 : f32
    %div3A_48 = vector.broadcast %div3A_47 : f32 to vector<2048x1xf32>
    %div3A_49 = arith.divf %broadcast_in_dim3A_46, %div3A_48 : vector<2048x1xf32>
    %sub3A_50 = vector.broadcast %div3A_49 : vector<2048x1xf32> to vector<2048x128xf32>
    %sub3A_51 = arith.subf %max3A_43, %sub3A_50 : vector<2048x128xf32>
    %integer_pow3A_52 = arith.mulf %sub3A_51, %sub3A_51 : vector<2048x128xf32>
    %reduce_sum3A_53 = arith.constant dense<0.000000e+00> : vector<2048xf32>
    %reduce_sum3A_54 = vector.multi_reduction <add>, %integer_pow3A_52, %reduce_sum3A_53 [1] : vector<2048x128xf32> to vector<2048xf32>
    %broadcast_in_dim3A_55 = vector.shape_cast %reduce_sum3A_54 : vector<2048xf32> to vector<2048x1xf32>
    %div3A_56 = arith.constant 1.280000e+02 : f32
    %div3A_57 = vector.broadcast %div3A_56 : f32 to vector<2048x1xf32>
    %div3A_58 = arith.divf %broadcast_in_dim3A_55, %div3A_57 : vector<2048x1xf32>
    %sub3A_59 = vector.broadcast %div3A_49 : vector<2048x1xf32> to vector<2048x128xf32>
    %sub3A_60 = arith.subf %max3A_43, %sub3A_59 : vector<2048x128xf32>
    %add3A_61 = arith.constant 9.99999974E-6 : f32
    %add3A_62 = vector.broadcast %add3A_61 : f32 to vector<2048x1xf32>
    %add3A_63 = arith.addf %div3A_58, %add3A_62 : vector<2048x1xf32>
    %rsqrt3A_64 = math.rsqrt %add3A_63 : vector<2048x1xf32>
    %mul3A_65 = vector.broadcast %rsqrt3A_64 : vector<2048x1xf32> to vector<2048x128xf32>
    %mul3A_66 = arith.mulf %sub3A_60, %mul3A_65 : vector<2048x128xf32>
    %get3A_67 = arith.constant 0 : index
    %get3A_68 = arith.constant 0 : index
    %get3A_69 = vector.load %arg10[%get3A_67, %get3A_68] : memref<1x128xf32, #tpu.memory_space<vmem>>, vector<1x128xf32>
    %mul3A_70 = vector.broadcast %get3A_69 : vector<1x128xf32> to vector<2048x128xf32>
    %mul3A_71 = arith.mulf %mul3A_66, %mul3A_70 : vector<2048x128xf32>
    %get3A_72 = arith.constant 0 : index
    %get3A_73 = arith.constant 0 : index
    %get3A_74 = vector.load %arg11[%get3A_72, %get3A_73] : memref<1x128xf32, #tpu.memory_space<vmem>>, vector<1x128xf32>
    %add3A_75 = vector.broadcast %get3A_74 : vector<1x128xf32> to vector<2048x128xf32>
    %add3A_76 = arith.addf %mul3A_71, %add3A_75 : vector<2048x128xf32>
    %get3A_77 = arith.constant 0 : index
    %get3A_78 = arith.constant 0 : index
    %get3A_79 = vector.load %arg12[%get3A_77, %get3A_78] : memref<128x128xf32, #tpu.memory_space<vmem>>, vector<128x128xf32>
    %dot_general3A_80 = arith.constant dense<0.000000e+00> : vector<2048x128xf32>
    %dot_general3A_81 = tpu.matmul %add3A_76, %get3A_79, %dot_general3A_80 {dimension_numbers = #tpu.dot_dimension_numbers<[1], [0], [0], [1], [0, 0, 1, 1], [], []>, transpose_lhs_hint = false} : vector<2048x128xf32>, vector<128x128xf32>, vector<2048x128xf32> -> vector<2048x128xf32>
    %get3A_82 = arith.constant 0 : index
    %get3A_83 = arith.constant 0 : index
    %get3A_84 = vector.load %arg13[%get3A_82, %get3A_83] : memref<1x128xf32, #tpu.memory_space<vmem>>, vector<1x128xf32>
    %add3A_85 = vector.broadcast %get3A_84 : vector<1x128xf32> to vector<2048x128xf32>
    %add3A_86 = arith.addf %dot_general3A_81, %add3A_85 : vector<2048x128xf32>
    %neg3A = arith.constant 0.000000e+00 : f32
    %neg3A_87 = vector.broadcast %neg3A : f32 to vector<2048x128xf32>
    %neg3A_88 = arith.subf %neg3A_87, %add3A_86 : vector<2048x128xf32>
    %exp3A = math.exp %neg3A_88 : vector<2048x128xf32>
    %add3A_89 = arith.constant 1.000000e+00 : f32
    %add3A_90 = vector.broadcast %add3A_89 : f32 to vector<2048x128xf32>
    %add3A_91 = arith.addf %add3A_90, %exp3A : vector<2048x128xf32>
    %div3A_92 = arith.constant 1.000000e+00 : f32
    %div3A_93 = vector.broadcast %div3A_92 : f32 to vector<2048x128xf32>
    %div3A_94 = arith.divf %div3A_93, %add3A_91 : vector<2048x128xf32>
    %get3A_95 = arith.constant 0 : index
    %get3A_96 = arith.constant 0 : index
    %get3A_97 = vector.load %arg14[%get3A_95, %get3A_96] : memref<128x128xf32, #tpu.memory_space<vmem>>, vector<128x128xf32>
    %dot_general3A_98 = arith.constant dense<0.000000e+00> : vector<2048x128xf32>
    %dot_general3A_99 = tpu.matmul %add3A_76, %get3A_97, %dot_general3A_98 {dimension_numbers = #tpu.dot_dimension_numbers<[1], [0], [0], [1], [0, 0, 1, 1], [], []>, transpose_lhs_hint = false} : vector<2048x128xf32>, vector<128x128xf32>, vector<2048x128xf32> -> vector<2048x128xf32>
    %get3A_100 = arith.constant 0 : index
    %get3A_101 = arith.constant 0 : index
    %get3A_102 = vector.load %arg15[%get3A_100, %get3A_101] : memref<1x128xf32, #tpu.memory_space<vmem>>, vector<1x128xf32>
    %add3A_103 = vector.broadcast %get3A_102 : vector<1x128xf32> to vector<2048x128xf32>
    %add3A_104 = arith.addf %dot_general3A_99, %add3A_103 : vector<2048x128xf32>
    %get3A_105 = arith.constant 0 : index
    %get3A_106 = arith.constant 0 : index
    %get3A_107 = vector.load %arg4[%get3A_105, %get3A_106] : memref<2048x1xi32, #tpu.memory_space<vmem>>, vector<2048x1xi32>
    %get3A_108 = arith.constant 0 : index
    %get3A_109 = arith.constant 0 : index
    %get3A_110 = vector.load %arg5[%get3A_108, %get3A_109] : memref<2048x1xi32, #tpu.memory_space<vmem>>, vector<2048x1xi32>
    %get3A_111 = arith.constant 0 : index
    %get3A_112 = arith.constant 0 : index
    %get3A_113 = vector.load %arg1[%get3A_111, %get3A_112] : memref<2048x128xf32, #tpu.memory_space<vmem>>, vector<2048x128xf32>
    %get3A_114 = arith.constant 0 : index
    %get3A_115 = arith.constant 0 : index
    %get3A_116 = vector.load %arg2[%get3A_114, %get3A_115] : memref<2048x128xf32, #tpu.memory_space<vmem>>, vector<2048x128xf32>
    %shift_right_arithmetic3A = arith.constant 12 : i32
    %shift_right_arithmetic3A_117 = vector.broadcast %shift_right_arithmetic3A : i32 to vector<2048x1xi32>
    %shift_right_arithmetic3A_118 = arith.shrsi %get3A_107, %shift_right_arithmetic3A_117 : vector<2048x1xi32>
    %and3A = arith.constant 1 : i32
    %and3A_119 = vector.broadcast %and3A : i32 to vector<2048x1xi32>
    %and3A_120 = arith.andi %shift_right_arithmetic3A_118, %and3A_119 : vector<2048x1xi32>
    %eq3A = arith.constant 1 : i32
    %eq3A_121 = vector.broadcast %eq3A : i32 to vector<2048x1xi32>
    %eq3A_122 = arith.cmpi eq, %and3A_120, %eq3A_121 : vector<2048x1xi32>
    %shift_right_arithmetic3A_123 = arith.constant 12 : i32
    %shift_right_arithmetic3A_124 = vector.broadcast %shift_right_arithmetic3A_123 : i32 to vector<2048x1xi32>
    %shift_right_arithmetic3A_125 = arith.shrsi %get3A_110, %shift_right_arithmetic3A_124 : vector<2048x1xi32>
    %and3A_126 = arith.constant 1 : i32
    %and3A_127 = vector.broadcast %and3A_126 : i32 to vector<2048x1xi32>
    %and3A_128 = arith.andi %shift_right_arithmetic3A_125, %and3A_127 : vector<2048x1xi32>
    %eq3A_129 = arith.constant 1 : i32
    %eq3A_130 = vector.broadcast %eq3A_129 : i32 to vector<2048x1xi32>
    %eq3A_131 = arith.cmpi eq, %and3A_128, %eq3A_130 : vector<2048x1xi32>
    %slice3A = vector.extract_strided_slice %get3A_113 {offsets = [0, 64], sizes = [2048, 64], strides = [1, 1]} : vector<2048x128xf32> to vector<2048x64xf32>
    %slice3A_132 = vector.extract_strided_slice %get3A_113 {offsets = [0, 0], sizes = [2048, 64], strides = [1, 1]} : vector<2048x128xf32> to vector<2048x64xf32>
    %broadcast_in_dim3A_133 = vector.shape_cast %eq3A_122 : vector<2048x1xi1> to vector<2048x1xi1>
    %broadcast_in_dim3A_134 = vector.broadcast %broadcast_in_dim3A_133 : vector<2048x1xi1> to vector<2048x64xi1>
    %select_n3A = arith.select %broadcast_in_dim3A_134, %slice3A, %slice3A_132 : vector<2048x64xi1>, vector<2048x64xf32>
    %slice3A_135 = vector.extract_strided_slice %get3A_116 {offsets = [0, 64], sizes = [2048, 64], strides = [1, 1]} : vector<2048x128xf32> to vector<2048x64xf32>
    %slice3A_136 = vector.extract_strided_slice %get3A_116 {offsets = [0, 0], sizes = [2048, 64], strides = [1, 1]} : vector<2048x128xf32> to vector<2048x64xf32>
    %broadcast_in_dim3A_137 = vector.shape_cast %eq3A_131 : vector<2048x1xi1> to vector<2048x1xi1>
    %broadcast_in_dim3A_138 = vector.broadcast %broadcast_in_dim3A_137 : vector<2048x1xi1> to vector<2048x64xi1>
    %select_n3A_139 = arith.select %broadcast_in_dim3A_138, %slice3A_135, %slice3A_136 : vector<2048x64xi1>, vector<2048x64xf32>
    %concatenate3A = tpu.concatenate %select_n3A, %select_n3A_139 in 1 : vector<2048x64xf32>, vector<2048x64xf32> -> vector<2048x128xf32>
    %mul3A_140 = arith.mulf %concatenate3A, %div3A_94 : vector<2048x128xf32>
    %add3A_141 = arith.addf %mul3A_140, %add3A_104 : vector<2048x128xf32>
    %eq3A_142 = arith.constant 0 : i32
    %eq3A_143 = vector.broadcast %eq3A_142 : i32 to vector<2048x1xi32>
    %eq3A_144 = arith.cmpi eq, %get3A_107, %eq3A_143 : vector<2048x1xi32>
    %eq3A_145 = arith.constant 0 : i32
    %eq3A_146 = vector.broadcast %eq3A_145 : i32 to vector<2048x1xi32>
    %eq3A_147 = arith.cmpi eq, %get3A_110, %eq3A_146 : vector<2048x1xi32>
    %and3A_148 = arith.andi %eq3A_144, %eq3A_147 : vector<2048x1xi1>
    %jit3A = arith.constant 0.000000e+00 : f32
    %broadcast_in_dim3A_149 = vector.shape_cast %and3A_148 : vector<2048x1xi1> to vector<2048x1xi1>
    %broadcast_in_dim3A_150 = vector.broadcast %broadcast_in_dim3A_149 : vector<2048x1xi1> to vector<2048x128xi1>
    %broadcast_in_dim3A_151 = vector.broadcast %jit3A : f32 to vector<2048x128xf32>
    %select_n3A_152 = arith.select %broadcast_in_dim3A_150, %broadcast_in_dim3A_151, %add3A_141 : vector<2048x128xi1>, vector<2048x128xf32>
    %jit3A_153 = arith.constant 0.000000e+00 : f32
    %broadcast_in_dim3A_154 = vector.shape_cast %and3A_148 : vector<2048x1xi1> to vector<2048x1xi1>
    %broadcast_in_dim3A_155 = vector.broadcast %broadcast_in_dim3A_154 : vector<2048x1xi1> to vector<2048x128xi1>
    %broadcast_in_dim3A_156 = vector.broadcast %jit3A_153 : f32 to vector<2048x128xf32>
    %select_n3A_157 = arith.select %broadcast_in_dim3A_155, %broadcast_in_dim3A_156, %add3A_76 : vector<2048x128xi1>, vector<2048x128xf32>
    %get3A_158 = arith.constant 0 : index
    %get3A_159 = arith.constant 0 : index
    %get3A_160 = vector.load %arg16[%get3A_158, %get3A_159] : memref<128x128xf32, #tpu.memory_space<vmem>>, vector<128x128xf32>
    %dot_general3A_161 = arith.constant dense<0.000000e+00> : vector<2048x128xf32>
    %dot_general3A_162 = tpu.matmul %select_n3A_152, %get3A_160, %dot_general3A_161 {dimension_numbers = #tpu.dot_dimension_numbers<[1], [0], [0], [1], [0, 0, 1, 1], [], []>, transpose_lhs_hint = false} : vector<2048x128xf32>, vector<128x128xf32>, vector<2048x128xf32> -> vector<2048x128xf32>
    %get3A_163 = arith.constant 0 : index
    %get3A_164 = arith.constant 0 : index
    %get3A_165 = vector.load %arg17[%get3A_163, %get3A_164] : memref<128x128xf32, #tpu.memory_space<vmem>>, vector<128x128xf32>
    %dot_general3A_166 = arith.constant dense<0.000000e+00> : vector<2048x128xf32>
    %dot_general3A_167 = tpu.matmul %select_n3A_157, %get3A_165, %dot_general3A_166 {dimension_numbers = #tpu.dot_dimension_numbers<[1], [0], [0], [1], [0, 0, 1, 1], [], []>, transpose_lhs_hint = false} : vector<2048x128xf32>, vector<128x128xf32>, vector<2048x128xf32> -> vector<2048x128xf32>
    %add3A_168 = arith.addf %dot_general3A_162, %dot_general3A_167 : vector<2048x128xf32>
    %get3A_169 = arith.constant 0 : index
    %get3A_170 = arith.constant 0 : index
    %get3A_171 = vector.load %arg18[%get3A_169, %get3A_170] : memref<1x128xf32, #tpu.memory_space<vmem>>, vector<1x128xf32>
    %add3A_172 = vector.broadcast %get3A_171 : vector<1x128xf32> to vector<2048x128xf32>
    %add3A_173 = arith.addf %add3A_168, %add3A_172 : vector<2048x128xf32>
    %max3A_174 = arith.constant 0.000000e+00 : f32
    %max3A_175 = vector.broadcast %max3A_174 : f32 to vector<2048x128xf32>
    %max3A_176 = arith.maximumf %add3A_173, %max3A_175 : vector<2048x128xf32>
    %reduce_sum3A_177 = arith.constant dense<0.000000e+00> : vector<2048xf32>
    %reduce_sum3A_178 = vector.multi_reduction <add>, %max3A_176, %reduce_sum3A_177 [1] : vector<2048x128xf32> to vector<2048xf32>
    %broadcast_in_dim3A_179 = vector.shape_cast %reduce_sum3A_178 : vector<2048xf32> to vector<2048x1xf32>
    %div3A_180 = arith.constant 1.280000e+02 : f32
    %div3A_181 = vector.broadcast %div3A_180 : f32 to vector<2048x1xf32>
    %div3A_182 = arith.divf %broadcast_in_dim3A_179, %div3A_181 : vector<2048x1xf32>
    %sub3A_183 = vector.broadcast %div3A_182 : vector<2048x1xf32> to vector<2048x128xf32>
    %sub3A_184 = arith.subf %max3A_176, %sub3A_183 : vector<2048x128xf32>
    %integer_pow3A_185 = arith.mulf %sub3A_184, %sub3A_184 : vector<2048x128xf32>
    %reduce_sum3A_186 = arith.constant dense<0.000000e+00> : vector<2048xf32>
    %reduce_sum3A_187 = vector.multi_reduction <add>, %integer_pow3A_185, %reduce_sum3A_186 [1] : vector<2048x128xf32> to vector<2048xf32>
    %broadcast_in_dim3A_188 = vector.shape_cast %reduce_sum3A_187 : vector<2048xf32> to vector<2048x1xf32>
    %div3A_189 = arith.constant 1.280000e+02 : f32
    %div3A_190 = vector.broadcast %div3A_189 : f32 to vector<2048x1xf32>
    %div3A_191 = arith.divf %broadcast_in_dim3A_188, %div3A_190 : vector<2048x1xf32>
    %sub3A_192 = vector.broadcast %div3A_182 : vector<2048x1xf32> to vector<2048x128xf32>
    %sub3A_193 = arith.subf %max3A_176, %sub3A_192 : vector<2048x128xf32>
    %add3A_194 = arith.constant 9.99999974E-6 : f32
    %add3A_195 = vector.broadcast %add3A_194 : f32 to vector<2048x1xf32>
    %add3A_196 = arith.addf %div3A_191, %add3A_195 : vector<2048x1xf32>
    %rsqrt3A_197 = math.rsqrt %add3A_196 : vector<2048x1xf32>
    %mul3A_198 = vector.broadcast %rsqrt3A_197 : vector<2048x1xf32> to vector<2048x128xf32>
    %mul3A_199 = arith.mulf %sub3A_193, %mul3A_198 : vector<2048x128xf32>
    %get3A_200 = arith.constant 0 : index
    %get3A_201 = arith.constant 0 : index
    %get3A_202 = vector.load %arg19[%get3A_200, %get3A_201] : memref<1x128xf32, #tpu.memory_space<vmem>>, vector<1x128xf32>
    %mul3A_203 = vector.broadcast %get3A_202 : vector<1x128xf32> to vector<2048x128xf32>
    %mul3A_204 = arith.mulf %mul3A_199, %mul3A_203 : vector<2048x128xf32>
    %get3A_205 = arith.constant 0 : index
    %get3A_206 = arith.constant 0 : index
    %get3A_207 = vector.load %arg20[%get3A_205, %get3A_206] : memref<1x128xf32, #tpu.memory_space<vmem>>, vector<1x128xf32>
    %add3A_208 = vector.broadcast %get3A_207 : vector<1x128xf32> to vector<2048x128xf32>
    %add3A_209 = arith.addf %mul3A_204, %add3A_208 : vector<2048x128xf32>
    %swap3A = arith.constant 0 : index
    %swap3A_210 = arith.constant 0 : index
    %swap3A_211 = vector.load %arg21[%swap3A, %swap3A_210] : memref<2048x128xf32, #tpu.memory_space<vmem>>, vector<2048x128xf32>
    tpu.vector_store %arg21[%swap3A, %swap3A_210], %add3A_209 {strides = array<i32>} : memref<2048x128xf32, #tpu.memory_space<vmem>>, vector<2048x128xf32>,
    return
  }
  func.func @transform_0(%arg0: i32) -> (i32, i32) {
    %c0_i32 = arith.constant 0 : i32
    %c0_i32_0 = arith.constant 0 : i32
    return %arg0, %c0_i32 : i32, i32
  }
  func.func @transform_1(%arg0: i32) -> (i32, i32) {
    %c0_i32 = arith.constant 0 : i32
    %c0_i32_0 = arith.constant 0 : i32
    return %arg0, %c0_i32 : i32, i32
  }
  func.func @transform_2(%arg0: i32) -> (i32, i32) {
    %c0_i32 = arith.constant 0 : i32
    %c0_i32_0 = arith.constant 0 : i32
    return %arg0, %c0_i32 : i32, i32
  }
  func.func @transform_3(%arg0: i32) -> (i32, i32) {
    %c0_i32 = arith.constant 0 : i32
    %c0_i32_0 = arith.constant 0 : i32
    return %arg0, %c0_i32 : i32, i32
  }
  func.func @transform_4(%arg0: i32) -> (i32, i32) {
    %c0_i32 = arith.constant 0 : i32
    %c0_i32_0 = arith.constant 0 : i32
    return %arg0, %c0_i32 : i32, i32
  }
  func.func @transform_5(%arg0: i32) -> (i32, i32) {
    %c0_i32 = arith.constant 0 : i32
    %c0_i32_0 = arith.constant 0 : i32
    %c0_i32_1 = arith.constant 0 : i32
    return %c0_i32, %c0_i32_0 : i32, i32
  }
  func.func @transform_6(%arg0: i32) -> (i32, i32) {
    %c0_i32 = arith.constant 0 : i32
    %c0_i32_0 = arith.constant 0 : i32
    %c0_i32_1 = arith.constant 0 : i32
    return %c0_i32, %c0_i32_0 : i32, i32
  }
  func.func @transform_7(%arg0: i32) -> (i32, i32) {
    %c0_i32 = arith.constant 0 : i32
    %c0_i32_0 = arith.constant 0 : i32
    %c0_i32_1 = arith.constant 0 : i32
    return %c0_i32, %c0_i32_0 : i32, i32
  }
  func.func @transform_8(%arg0: i32) -> (i32, i32) {
    %c0_i32 = arith.constant 0 : i32
    %c0_i32_0 = arith.constant 0 : i32
    %c0_i32_1 = arith.constant 0 : i32
    return %c0_i32, %c0_i32_0 : i32, i32
  }
  func.func @transform_9(%arg0: i32) -> (i32, i32) {
    %c0_i32 = arith.constant 0 : i32
    %c0_i32_0 = arith.constant 0 : i32
    %c0_i32_1 = arith.constant 0 : i32
    return %c0_i32, %c0_i32_0 : i32, i32
  }
  func.func @transform_10(%arg0: i32) -> (i32, i32) {
    %c0_i32 = arith.constant 0 : i32
    %c0_i32_0 = arith.constant 0 : i32
    %c0_i32_1 = arith.constant 0 : i32
    return %c0_i32, %c0_i32_0 : i32, i32
  }
  func.func @transform_11(%arg0: i32) -> (i32, i32) {
    %c0_i32 = arith.constant 0 : i32
    %c0_i32_0 = arith.constant 0 : i32
    %c0_i32_1 = arith.constant 0 : i32
    return %c0_i32, %c0_i32_0 : i32, i32
  }
  func.func @transform_12(%arg0: i32) -> (i32, i32) {
    %c0_i32 = arith.constant 0 : i32
    %c0_i32_0 = arith.constant 0 : i32
    %c0_i32_1 = arith.constant 0 : i32
    return %c0_i32, %c0_i32_0 : i32, i32
  }
  func.func @transform_13(%arg0: i32) -> (i32, i32) {
    %c0_i32 = arith.constant 0 : i32
    %c0_i32_0 = arith.constant 0 : i32
    %c0_i32_1 = arith.constant 0 : i32
    return %c0_i32, %c0_i32_0 : i32, i32
  }
  func.func @transform_14(%arg0: i32) -> (i32, i32) {
    %c0_i32 = arith.constant 0 : i32
    %c0_i32_0 = arith.constant 0 : i32
    %c0_i32_1 = arith.constant 0 : i32
    return %c0_i32, %c0_i32_0 : i32, i32
  }
  func.func @transform_15(%arg0: i32) -> (i32, i32) {
    %c0_i32 = arith.constant 0 : i32
    %c0_i32_0 = arith.constant 0 : i32
    %c0_i32_1 = arith.constant 0 : i32
    return %c0_i32, %c0_i32_0 : i32, i32
  }
  func.func @transform_16(%arg0: i32) -> (i32, i32) {
    %c0_i32 = arith.constant 0 : i32
    %c0_i32_0 = arith.constant 0 : i32
    %c0_i32_1 = arith.constant 0 : i32
    return %c0_i32, %c0_i32_0 : i32, i32
  }
  func.func @transform_17(%arg0: i32) -> (i32, i32) {
    %c0_i32 = arith.constant 0 : i32
    %c0_i32_0 = arith.constant 0 : i32
    %c0_i32_1 = arith.constant 0 : i32
    return %c0_i32, %c0_i32_0 : i32, i32
  }
  func.func @transform_18(%arg0: i32) -> (i32, i32) {
    %c0_i32 = arith.constant 0 : i32
    %c0_i32_0 = arith.constant 0 : i32
    %c0_i32_1 = arith.constant 0 : i32
    return %c0_i32, %c0_i32_0 : i32, i32
  }
  func.func @transform_19(%arg0: i32) -> (i32, i32) {
    %c0_i32 = arith.constant 0 : i32
    %c0_i32_0 = arith.constant 0 : i32
    %c0_i32_1 = arith.constant 0 : i32
    return %c0_i32, %c0_i32_0 : i32, i32
  }
  func.func @transform_20(%arg0: i32) -> (i32, i32) {
    %c0_i32 = arith.constant 0 : i32
    %c0_i32_0 = arith.constant 0 : i32
    return %arg0, %c0_i32 : i32, i32
  }
}

</mosaic_0001>

<sc_bundles>
// kernel: kernel.5.cloned.1.call-start
scs
__scs_entry_jumppad:
0x0: {  	(pc) =	sbr.rel $0x88, $3  }
0x1: {  	(tag) =	ssettag $0x0;
	lr =	simm.s32 $0x1  }
0x2: {  	[smem:$0x3F8E] =	sst lr;
	_ =	strace $0xD0000000  }
0x3: {  	_ = 	snop  }
0x4: {  	_ = 	snop  }
0x5: {  	_ = 	snop  }
0x6: {  	_ = 	snop  }
0x7: {  	_ = 	snop  }
__scs_overlays_trampoline_lowered:
0x8: {  	[smem:$0x3F9D] =	sst s0  }
0x9: {  	[smem:$0x3F9E] =	sst s1  }
0xa: {  	[smem:$0x3F9F] =	sst s2  }
0xb: {  	[smem:$0x3FA0] =	sst s3  }
0xc: {  	[smem:$0x3FA1] =	sst s4  }
0xd: {  	[smem:$0x3FA2] =	sst s5  }
0xe: {  	[smem:$0x3FA3] =	sst s6  }
0xf: {  	[smem:$0x3FA4] =	sst s7  }
0x10: {  	[smem:$0x3FA5] =	sst s8  }
0x11: {  	[smem:$0x3FA6] =	sst s9;
	s0 =	simm.s32 @!p0 $0x0  }
0x12: {  	s1 =	sld [smem:$0x3F8C];
	s0 =	simm.s32 @p0 $0x1  }
0x13: {  	[smem:$0x3FA7] =	sst s0;
	s0 =	simm.s32 @!p1 $0x0  }
0x14: {  	s2 =	sld [smem:$0x3F8B];
	s0 =	simm.s32 @p1 $0x1  }
0x15: {  	[smem:$0x3FA8] =	sst s0;
	s0 =	simm.s32 @!p2 $0x0  }
0x16: {  	s3 =	sld [smem:$0x3FDB];
	s0 =	simm.s32 @p2 $0x1  }
0x17: {  	s4 =	simm.s32 $0x1BF5;
	[smem:$0x3FAA] =	sst s0  }
0x18: {  	s0 =	sld [smem:$0x3F8D];
	_ =	swait.ge [sflag:s4], $0x0  }
0x19: {  	s7 =	sld [smem:$0x3F8E]  }
0x1a: {  	s8 =	sadd.s32 $0xFFFFE003, lr  }
0x1b: {  	s9 =	sadd.s32 $0xFFFFFEF7, lr;
	s5 =	simm.s32 $0xFFFFFFFF;
	p2 =	slt.u32 s8, $0xFFFFF086  }
0x1c: {  	p1 =	slt.u32 s9, $0xF7A;
	s5 =	simm.s32 @!p2 $0x0  }
0x1d: {  	s5 =	simm.s32 @p1 $0x1;
	p0 =	seq.s32 s7, s2  }
0x1e: {  	s7 =	smul.u32 @!p0 $0xF7A, s2;
	p2 =	seq.s32 @!p0 s5, $0x0  }
0x1f: {  	s9 =	smul.u32 $0xF7A, s1;
	s8 =	simm.s32 @!p0 $0x1BF5;
	p2 =	por !p2, p0  }
0x20: {  	[sflag:s8] =	ssyncset.s32 @!p0 $0xFFFFF086;
	s6 =	sadd.s32 @!p0 s3, s7;
	s7 =	simm.s32 @!p0 $0x108  }
0x21: {  	s3 =	sadd.s32 s3, s9;
	s6 =	sadd.s32 @!p0 $0x88, s6;
	s7 =	simm.s32 @p2 $0x1082  }
0x22: {  	[simem:s7], [sflag:s8] =	dma.local @!p0 [hbm:s6], $0xF7A  }
0x23: {  	s9 =	sor.u32 $0xD0000000, s2;
	s6 =	simm.s32 $0x108;
	_ =	swait.ge @!p0 [sflag:s8], $0x0  }
0x24: {  	s3 =	sadd.s32 $0x88, s3;
	s6 =	simm.s32 @!p1 $0x1082;
	[sflag:s4] =	ssyncset.s32 $0xFFFFF086  }
0x25: {  	[simem:s6], [sflag:s4] =	dma.local [hbm:s3], $0xF7A  }
0x26: {  	[smem:$0x3F8E] =	sst s1;
	(tag) =	ssettag s2;
	_ =	strace s9  }
0x27: {  	s1 =	sld [smem:$0x3F9E]  }
0x28: {  	s2 =	sld [smem:$0x3F9F]  }
0x29: {  	s4 =	sld [smem:$0x3FA1]  }
0x2a: {  	p0 =	seq.s32 s5, $0x0;
	s5 =	sld [smem:$0x3FA2]  }
0x2b: {  	s6 =	sld [smem:$0x3FA3]  }
0x2c: {  	s7 =	sld [smem:$0x3FA4]  }
0x2d: {  	s3 =	simm.s32 $0x108;
	s8 =	sld [smem:$0x3FA5]  }
0x2e: {  	s3 =	simm.s32 @!p0 $0x1082;
	s9 =	sld [smem:$0x3FA6]  }
0x2f: {  	lr =	sadd.s32 s0, s3;
	s0 =	sld [smem:$0x3F9D]  }
0x30: {  	s3 =	sld [smem:$0x3FA0]  }
0x31: {  	[smem:$0x3FA9] =	sst s10  }
0x32: {  	s10 =	sld [smem:$0x3FA7];
	_ =	sdelay $0x3  }
0x33: {  	p0 =	seq.s32 s10, $0x1;
	s10 =	sld [smem:$0x3FA9];
	_ =	sdelay $0x3  }
0x34: {  	[smem:$0x3FA9] =	sst s10  }
0x35: {  	s10 =	sld [smem:$0x3FA8];
	_ =	sdelay $0x3  }
0x36: {  	p1 =	seq.s32 s10, $0x1;
	s10 =	sld [smem:$0x3FA9];
	_ =	sdelay $0x3  }
0x37: {  	[smem:$0x3FA9] =	sst s10  }
0x38: {  	s10 =	sld [smem:$0x3FAA]  }
0x39: {  	_ = 	snop;
	(pc) =	sbr.ind lr, $3  }
0x3a: {  	_ = 	snop  }
0x3b: {  	_ = 	snop  }
0x3c: {  	p2 =	seq.s32 s10, $0x1;
	s10 =	sld [smem:$0x3FA9]  }
0x3d: {  	_ =	shalt  }
0x3e: {  	_ =	shalt  }
0x3f: {  	_ =	shalt  }
0x40: {  	_ =	shalt  }
0x41: {  	_ =	shalt  }
0x42: {  	_ =	shalt  }
0x43: {  	_ =	shalt  }
0x44: {  	_ =	shalt  }
0x45: {  	_ =	shalt  }
0x46: {  	_ =	shalt  }
0x47: {  	_ =	shalt  }
0x48: {  	_ =	shalt  }
0x49: {  	_ =	shalt  }
0x4a: {  	_ =	shalt  }
0x4b: {  	_ =	shalt  }
0x4c: {  	_ =	shalt  }
0x4d: {  	_ =	shalt  }
0x4e: {  	_ =	shalt  }
0x4f: {  	_ =	shalt  }
0x50: {  	_ =	shalt  }
0x51: {  	_ =	shalt  }
0x52: {  	_ =	shalt  }
0x53: {  	_ =	shalt  }
0x54: {  	_ =	shalt  }
0x55: {  	_ =	shalt  }
0x56: {  	_ =	shalt  }
0x57: {  	_ =	shalt  }
0x58: {  	_ =	shalt  }
0x59: {  	_ =	shalt  }
0x5a: {  	_ =	shalt  }
0x5b: {  	_ =	shalt  }
0x5c: {  	_ =	shalt  }
0x5d: {  	_ =	shalt  }
0x5e: {  	_ =	shalt  }
0x5f: {  	_ =	shalt  }
0x60: {  	_ =	shalt  }
0x61: {  	_ =	shalt  }
0x62: {  	_ =	shalt  }
0x63: {  	_ =	shalt  }
0x64: {  	_ =	shalt  }
0x65: {  	_ =	shalt  }
0x66: {  	_ =	shalt  }
0x67: {  	_ =	shalt  }
0x68: {  	_ =	shalt  }
0x69: {  	_ =	shalt  }
0x6a: {  	_ =	shalt  }
0x6b: {  	_ =	shalt  }
0x6c: {  	_ =	shalt  }
0x6d: {  	_ =	shalt  }
0x6e: {  	_ =	shalt  }
0x6f: {  	_ =	shalt  }
0x70: {  	_ =	shalt  }
0x71: {  	_ =	shalt  }
0x72: {  	_ =	shalt  }
0x73: {  	_ =	shalt  }
0x74: {  	_ =	shalt  }
0x75: {  	_ =	shalt  }
0x76: {  	_ =	shalt  }
0x77: {  	_ =	shalt  }
0x78: {  	_ =	shalt  }
0x79: {  	_ =	shalt  }
0x7a: {  	_ =	shalt  }
0x7b: {  	_ =	shalt  }
0x7c: {  	_ =	shalt  }
0x7d: {  	_ =	shalt  }
0x7e: {  	_ =	shalt  }
0x7f: {  	_ =	shalt  }
0x80: {  	_ =	shalt  }
0x81: {  	_ =	shalt  }
0x82: {  	_ =	shalt  }
0x83: {  	_ =	shalt  }
0x84: {  	_ =	shalt  }
0x85: {  	_ =	shalt  }
0x86: {  	_ =	shalt  }
0x87: {  	_ =	shalt  }
.Lfunc_end0:
.L_simem_size_0:
called_computation_lowered:
.L_overlay_start_0:
0x88: {  	s2 =	sld [smem:$0x3FD9]  }
0x89: {  	s3 =	sld [smem:$0x3FFE];
	_ =	sdelay $0x1  }
0x8a: {  	s1 =	srdreg.scid  }
0x8b: {  	s0 =	sand.u32 $0x1, s1  }
0x8c: {  	s17 =	sshll.u32 s0, $0xA;
	s2 =	sadd.s32 s3, s2  }
0x8d: {  	s2 =	sadd.s32 s2, s17  }
0x8e: {  	[smem:$0x3FB5] =	sst s2  }
0x8f: {  	_ = 	snop  }
0x90: {  	s2 =	sld [smem:$0x3FD0];
	(tm) =	ssettm $0x1  }
0x91: {  	s18 =	sld [smem:$0x3FFB];
	_ =	sdelay $0x3  }
0x92: {  	_ =	strace s18  }
0x93: {  	s3 =	sld [smem:$0x3FFC];
	_ =	sdelay $0x3  }
0x94: {  	_ =	strace s3  }
0x95: {  	s3 =	sld [smem:$0x3FFD];
	_ =	sdelay $0x3  }
0x96: {  	_ =	strace s3  }
0x97: {  	_ =	strace $0x8FFFFFFF  }
0x98: {  	s19 =	sld [smem:$0x3FDB];
	_ =	sdelay $0x1  }
0x99: {  	s4 =	simm.s32 $_scs_section_size  }
0x9a: {  	s5 =	simm.s32 $_size__tile_overlayer_lowered;
	s6 =	simm.s32 $_tile_overlayer_lowered  }
0x9b: {  	s22 =	simm.s32 $0x1BFF;
	s21 =	sshll.u32 s6, $0x1;
	s3 =	sadd.s32 s4, s19  }
0x9c: {  	s7 =	simm.s32 $0x0;
	s20 =	sshll.u32 s5, $0x1;
	s5 =	sadd.s32 s21, s3  }
0x9d: {  	[timem:s7], [sflag:s22] =	dma.local [hbm:s5], s20  }
0x9e: {  	_ =	swait.ge [sflag:s22], s20  }
0x9f: {  	s4 =	ssub.s32 $0x0, s20;
	[sflag:s22] =	ssyncset.done $0x0  }
0xa0: {  	[sflag:s22] =	ssyncadd.s32 s4;
	_ =	sdelay $0x1  }
0xa1: {  	s23 =	simm.s32 $0x1B8B  }
0xa2: {  	_ =	swait.ge [sflag:s23], $0x1  }
0xa3: {  	[sflag:s23] =	ssyncset.done $0x0  }
0xa4: {  	s25 =	simm.s32 $0x1B8E;
	s24 =	sld [smem:$0x3FFE];
	[sflag:s23] =	ssyncadd.s32 $0xFFFFFFFF  }
0xa5: {  	s26 =	simm.s32 $execute0_lowered;
	[smem:$0x3FD2] =	sst s25  }
0xa6: {  	s5 =	sshll.u32 s26, $0x1;
	_ =	strace $0x80000046;
	[dreg:$0x1] =	wrdreg $0xFFFFFFFF  }
0xa7: {  	s28 =	simm.s32 $_size_execute0_lowered;
	s3 =	sadd.s32 s3, s5;
	[dreg:$0x0] =	wrdreg $0x0  }
0xa8: {  	s5 =	sshll.u32 s28, $0x1;
	[dreg:$0x2] =	wrdreg s3  }
0xa9: {  	[dreg:$0x3] =	wrdreg s5  }
0xaa: {  	[dreg:$0x4] =	wrdreg $0xC0  }
0xab: {  	_ =	task [dreg:s7], $0x5FFFF  }
0xac: {  	[dreg:$0x1] =	wrdreg $0xFFFFFFFF  }
0xad: {  	[dreg:$0x0] =	wrdreg $0x60  }
0xae: {  	[dreg:$0x2] =	wrdreg s24  }
0xaf: {  	[dreg:$0x3] =	wrdreg s2  }
0xb0: {  	[dreg:$0x4] =	wrdreg $0x9  }
0xb1: {  	_ =	task.clear_ibuf [dreg:s7], $0x5FFFF;
	_ =	strace $0x90000046  }
0xb2: {  	s29 =	simm.s32 $0x9;
	_ =	strace $0x80000048  }
0xb3: {  	_ =	swait.ge [sflag:s29], $0x1  }
0xb4: {  	[sflag:s29] =	ssyncadd.s32 $0xFFFFFFFF  }
0xb5: {  	_ =	strace $0x90000048  }
0xb6: {  	_ =	sfence  }
0xb7: {  	s30 =	sld [smem:$0x0];
	_ =	sdelay $0x2  }
0xb8: {  	s31 =	sshll.u32 s1, $0xD;
	s1 =	sshrl.u32 s1, $0x2  }
0xb9: {  	s3 =	sand.u32 $0x4000, s31;
	s1 =	sadd.s32 s1, s30  }
0xba: {  	s0 =	sor.u32 s3, s0;
	s1 =	sshll.u32 s1, $0x11  }
0xbb: {  	s0 =	sor.u32 s1, s0  }
0xbc: {  	s0 =	sadd.s32 $0x8F2B, s0  }
0xbd: {  	[sflag:s0] =	ssyncadd.remote.s32 $0x1  }
0xbe: {  	_ =	sfence.sel $0xFFFF  }
0xbf: {  	[dreg:$0x0] =	wrdreg $0xFFFFFFFF;
	(pc) =	sbr.abs _section_cstart, $3  }
0xc0: {  	[dreg:$0x1] =	wrdreg $0xFFFFFFFF  }
0xc1: {  	_ =	task.clear_ibuf [dreg:s7], $0x2FFFF;
	_ =	strace $0x9FFFFFFF  }
0xc2: {  	(tm) =	ssettm $0x7FFFFFFF  }
0xc3: {  	_ =	shalt  }
tec
execute0_lowered:
.L_overlay_start_1:
0x0: {  	(tag) =	ssettag $0x1  }
0x1: {  	s1 =	srdreg.scid;
	s0 =	stileid.u32  }
0x2: {  	s17 =	rddreg [dreg:$0x0];
	s22 =	sand.u32 $0x1, s1;
	s29 =	sshll.u32 s0, $0x1  }
0x3: {  	s23 =	rddreg [dreg:$0x1];
	s16 =	sor.u32 s22, s29  }
0x4: {  	s2 =	simm.s32 $0x0;
	s1 =	rddreg [dreg:$0x2];
	s3 =	sshll.u32 s16, $0x7  }
0x5: {  	[smem:$0x7FF] =	sst s2;
	s3 =	sadd.s32 s3, s17  }
0x6: {  	_ =	strace $0x80000047;
	s4 =	sadd.s32 $0x1A3200, s3;
	s3 =	simm.s32 $0x3  }
0x7: {  	[tilespmem:s2], [sflag:$0x3] =	stream.linear.gather [hbm4b:s4+s2], $0x400, $0x38;
	[tilespmem:$0x10400] =	vst v63  }
0x8: {  	_ =	swait.ge [sflag:s3], $0x400  }
0x9: {  	s6 =	simm.s32 $0x80;
	[sflag:s3] =	ssyncset.done $0x0  }
0xa: {  	s7 =	simm.s32 $0x400;
	s5 =	sadd.s32 $0x3200, s17;
	[sflag:s3] =	ssyncadd.s32 $0xFFFFFC00  }
0xb: {  	[tilespmem:s7], [sflag:$0x1] =	stream.indirect.gather [hbm4b:s5+s6], $0x80, s2, s6, $0xb8;
	[tilespmem:$0x10400] =	vst v63  }
0xc: {  	s9 =	simm.s32 $0x200;
	s10 =	simm.s32 $0x8400;
	s8 =	sadd.s32 $0xD3200, s17  }
0xd: {  	[tilespmem:s10], [sflag:$0x2] =	stream.indirect.gather [hbm4b:s8+s6], $0x80, s9, s6, $0xb8;
	[tilespmem:$0x10400] =	vst v63  }
0xe: {  	s11 =	simm.s32 $0x4400  }
0xf: {  	[tilespmem:s11], [sflag:$0x1] =	stream.indirect.gather [hbm4b:s5+s6], $0x80, s6, s6, $0xb8;
	[tilespmem:$0x10400] =	vst v63  }
0x10: {  	s12 =	simm.s32 $0x280;
	s13 =	simm.s32 $0xC400;
	s14 =	simm.s32 $0x1  }
0x11: {  	[tilespmem:s13], [sflag:$0x2] =	stream.indirect.gather [hbm4b:s8+s6], $0x80, s12, s6, $0xb8;
	[tilespmem:$0x10400] =	vst v63  }
0x12: {  	_ =	swait.ge [sflag:s14], $0x4000  }
0x13: {  	[sflag:s14] =	ssyncset.done $0x0  }
0x14: {  	s15 =	simm.s32 $0x2;
	[sflag:s14] =	ssyncadd.s32 $0xFFFFC000  }
0x15: {  	_ =	swait.ge [sflag:s15], $0x4000  }
0x16: {  	[sflag:s15] =	ssyncset.done $0x0  }
0x17: {  	[sflag:s15] =	ssyncadd.s32 $0xFFFFC000  }
0x18: {  	_ =	swait.ge [sflag:s14], $0x4000  }
0x19: {  	[sflag:s14] =	ssyncset.done $0x0  }
0x1a: {  	[sflag:s14] =	ssyncadd.s32 $0xFFFFC000  }
0x1b: {  	_ =	swait.ge [sflag:s15], $0x4000  }
0x1c: {  	s24 =	sshll.u32 s16, $0xD;
	[sflag:s15] =	ssyncset.done $0x0  }
0x1d: {  	s16 =	sadd.s32 s23, s24;
	[sflag:s15] =	ssyncadd.s32 $0xFFFFC000  }
0x1e: {  	[hbm4b:s16+s2] =	stream.linear.scatter [tilespmem:s7], [sflag:$0x3], $0x8000, $0x38;
	[tilespmem:$0x10400] =	vst v63  }
0x1f: {  	_ =	swait.ge [sflag:s3], $0x8000  }
0x20: {  	s25 =	sadd.s32 $0x1A4200, s17;
	[sflag:s3] =	ssyncset.done $0x0  }
0x21: {  	s17 =	sadd.s32 s25, s24;
	[sflag:s3] =	ssyncadd.s32 $0xFFFF8000  }
0x22: {  	[hbm4b:s17+s2] =	stream.linear.scatter [tilespmem:s10], [sflag:$0x3], $0x8000, $0x38;
	[tilespmem:$0x10400] =	vst v63  }
0x23: {  	_ =	swait.ge [sflag:s3], $0x8000  }
0x24: {  	[sflag:s3] =	ssyncset.done $0x0  }
0x25: {  	s18 =	simm.s32 $0x100;
	[sflag:s3] =	ssyncadd.s32 $0xFFFF8000  }
0x26: {  	[tilespmem:s7], [sflag:$0x1] =	stream.indirect.gather [hbm4b:s5+s6], $0x80, s18, s6, $0xb8;
	[tilespmem:$0x10400] =	vst v63  }
0x27: {  	s19 =	simm.s32 $0x300  }
0x28: {  	[tilespmem:s10], [sflag:$0x2] =	stream.indirect.gather [hbm4b:s8+s6], $0x80, s19, s6, $0xb8;
	[tilespmem:$0x10400] =	vst v63  }
0x29: {  	s20 =	simm.s32 $0x180  }
0x2a: {  	[tilespmem:s11], [sflag:$0x1] =	stream.indirect.gather [hbm4b:s5+s6], $0x80, s20, s6, $0xb8;
	[tilespmem:$0x10400] =	vst v63  }
0x2b: {  	s21 =	simm.s32 $0x380  }
0x2c: {  	[tilespmem:s13], [sflag:$0x2] =	stream.indirect.gather [hbm4b:s8+s6], $0x80, s21, s6, $0xb8;
	[tilespmem:$0x10400] =	vst v63  }
0x2d: {  	_ =	swait.ge [sflag:s14], $0x4000  }
0x2e: {  	[sflag:s14] =	ssyncset.done $0x0  }
0x2f: {  	[sflag:s14] =	ssyncadd.s32 $0xFFFFC000  }
0x30: {  	_ =	swait.ge [sflag:s15], $0x4000  }
0x31: {  	[sflag:s15] =	ssyncset.done $0x0  }
0x32: {  	[sflag:s15] =	ssyncadd.s32 $0xFFFFC000  }
0x33: {  	_ =	swait.ge [sflag:s14], $0x4000  }
0x34: {  	[sflag:s14] =	ssyncset.done $0x0  }
0x35: {  	s26 =	ssub.s32 $0x2, s22;
	[sflag:s14] =	ssyncadd.s32 $0xFFFFC000  }
0x36: {  	s30 =	sshrl.u32 s26, $0x1;
	_ =	swait.ge [sflag:s15], $0x4000  }
0x37: {  	s24 =	sor.u32 $0x1000, s24;
	s26 =	ssub.s32 s26, s30;
	[sflag:s15] =	ssyncset.done $0x0  }
0x38: {  	s22 =	sadd.s32 s23, s24;
	s31 =	smax.u32 s26, $0x1;
	[sflag:s15] =	ssyncadd.s32 $0xFFFFC000  }
0x39: {  	[hbm4b:s22+s2] =	stream.linear.scatter [tilespmem:s7], [sflag:$0x3], $0x8000, $0x38;
	[tilespmem:$0x10400] =	vst v63  }
0x3a: {  	p0 =	sne.s32 s31, $0x1;
	_ =	swait.ge [sflag:s3], $0x8000  }
.Ltmp0:
0x3b: {  	[sflag:s3] =	ssyncset.done $0x0;
	(pc) =	sbr.rel @!p0 .LBB2_2-.Ltmp0, $4  }
0x3c: {  	s23 =	sadd.s32 s25, s24;
	[sflag:s3] =	ssyncadd.s32 $0xFFFF8000  }
0x3d: {  	[hbm4b:s23+s2] =	stream.linear.scatter [tilespmem:s10], [sflag:$0x3], $0x8000, $0x38;
	[tilespmem:$0x10400] =	vst v63  }
0x3e: {  	_ =	swait.ge [sflag:s3], $0x8000  }
0x3f: {  	s24 =	sadd.s32 $0xFFFFFFFF, s31;
	[sflag:s3] =	ssyncset.done $0x0  }
.LBB2_1:
0x40: {  	p0 =	sne.s32 s24, $0x1;
	s24 =	sadd.s32 $0xFFFFFFFF, s24;
	[sflag:s3] =	ssyncadd.s32 $0xFFFF8000  }
0x41: {  	[tilespmem:s2], [sflag:$0x3] =	stream.linear.gather [hbm4b:s4+s2], $0x400, $0x38;
	[tilespmem:$0x10400] =	vst v63  }
0x42: {  	_ =	swait.ge [sflag:s3], $0x400  }
0x43: {  	[sflag:s3] =	ssyncset.done $0x0  }
0x44: {  	[sflag:s3] =	ssyncadd.s32 $0xFFFFFC00  }
0x45: {  	[tilespmem:s7], [sflag:$0x1] =	stream.indirect.gather [hbm4b:s5+s6], $0x80, s2, s6, $0xb8;
	[tilespmem:$0x10400] =	vst v63  }
0x46: {  	_ = 	snop  }
0x47: {  	[tilespmem:s10], [sflag:$0x2] =	stream.indirect.gather [hbm4b:s8+s6], $0x80, s9, s6, $0xb8;
	[tilespmem:$0x10400] =	vst v63  }
0x48: {  	_ = 	snop  }
0x49: {  	[tilespmem:s11], [sflag:$0x1] =	stream.indirect.gather [hbm4b:s5+s6], $0x80, s6, s6, $0xb8;
	[tilespmem:$0x10400] =	vst v63  }
0x4a: {  	_ = 	snop  }
0x4b: {  	[tilespmem:s13], [sflag:$0x2] =	stream.indirect.gather [hbm4b:s8+s6], $0x80, s12, s6, $0xb8;
	[tilespmem:$0x10400] =	vst v63  }
0x4c: {  	_ =	swait.ge [sflag:s14], $0x4000  }
0x4d: {  	[sflag:s14] =	ssyncset.done $0x0  }
0x4e: {  	[sflag:s14] =	ssyncadd.s32 $0xFFFFC000  }
0x4f: {  	_ =	swait.ge [sflag:s15], $0x4000  }
0x50: {  	[sflag:s15] =	ssyncset.done $0x0  }
0x51: {  	[sflag:s15] =	ssyncadd.s32 $0xFFFFC000  }
0x52: {  	_ =	swait.ge [sflag:s14], $0x4000  }
0x53: {  	[sflag:s14] =	ssyncset.done $0x0  }
0x54: {  	[sflag:s14] =	ssyncadd.s32 $0xFFFFC000  }
0x55: {  	_ =	swait.ge [sflag:s15], $0x4000  }
0x56: {  	[sflag:s15] =	ssyncset.done $0x0  }
0x57: {  	[sflag:s15] =	ssyncadd.s32 $0xFFFFC000  }
0x58: {  	[hbm4b:s16+s2] =	stream.linear.scatter [tilespmem:s7], [sflag:$0x3], $0x8000, $0x38;
	[tilespmem:$0x10400] =	vst v63  }
0x59: {  	_ =	swait.ge [sflag:s3], $0x8000  }
0x5a: {  	[sflag:s3] =	ssyncset.done $0x0  }
0x5b: {  	[sflag:s3] =	ssyncadd.s32 $0xFFFF8000  }
0x5c: {  	[hbm4b:s17+s2] =	stream.linear.scatter [tilespmem:s10], [sflag:$0x3], $0x8000, $0x38;
	[tilespmem:$0x10400] =	vst v63  }
0x5d: {  	_ =	swait.ge [sflag:s3], $0x8000  }
0x5e: {  	[sflag:s3] =	ssyncset.done $0x0  }
0x5f: {  	[sflag:s3] =	ssyncadd.s32 $0xFFFF8000  }
0x60: {  	[tilespmem:s7], [sflag:$0x1] =	stream.indirect.gather [hbm4b:s5+s6], $0x80, s18, s6, $0xb8;
	[tilespmem:$0x10400] =	vst v63  }
0x61: {  	_ = 	snop  }
0x62: {  	[tilespmem:s10], [sflag:$0x2] =	stream.indirect.gather [hbm4b:s8+s6], $0x80, s19, s6, $0xb8;
	[tilespmem:$0x10400] =	vst v63  }
0x63: {  	_ = 	snop  }
0x64: {  	[tilespmem:s11], [sflag:$0x1] =	stream.indirect.gather [hbm4b:s5+s6], $0x80, s20, s6, $0xb8;
	[tilespmem:$0x10400] =	vst v63  }
0x65: {  	_ = 	snop  }
0x66: {  	[tilespmem:s13], [sflag:$0x2] =	stream.indirect.gather [hbm4b:s8+s6], $0x80, s21, s6, $0xb8;
	[tilespmem:$0x10400] =	vst v63  }
0x67: {  	_ =	swait.ge [sflag:s14], $0x4000  }
0x68: {  	[sflag:s14] =	ssyncset.done $0x0  }
0x69: {  	[sflag:s14] =	ssyncadd.s32 $0xFFFFC000  }
0x6a: {  	_ =	swait.ge [sflag:s15], $0x4000  }
0x6b: {  	[sflag:s15] =	ssyncset.done $0x0  }
0x6c: {  	[sflag:s15] =	ssyncadd.s32 $0xFFFFC000  }
0x6d: {  	_ =	swait.ge [sflag:s14], $0x4000  }
0x6e: {  	[sflag:s14] =	ssyncset.done $0x0  }
0x6f: {  	[sflag:s14] =	ssyncadd.s32 $0xFFFFC000  }
0x70: {  	_ =	swait.ge [sflag:s15], $0x4000  }
0x71: {  	[sflag:s15] =	ssyncset.done $0x0  }
0x72: {  	[sflag:s15] =	ssyncadd.s32 $0xFFFFC000  }
0x73: {  	[hbm4b:s22+s2] =	stream.linear.scatter [tilespmem:s7], [sflag:$0x3], $0x8000, $0x38;
	[tilespmem:$0x10400] =	vst v63  }
0x74: {  	_ =	swait.ge [sflag:s3], $0x8000  }
.Ltmp1:
0x75: {  	[sflag:s3] =	ssyncset.done $0x0;
	(pc) =	sbr.rel @p0 .LBB2_1-.Ltmp1, $4  }
0x76: {  	[sflag:s3] =	ssyncadd.s32 $0xFFFF8000  }
0x77: {  	[hbm4b:s23+s2] =	stream.linear.scatter [tilespmem:s10], [sflag:$0x3], $0x8000, $0x38;
	[tilespmem:$0x10400] =	vst v63  }
0x78: {  	_ =	swait.ge [sflag:s3], $0x8000  }
0x79: {  	[sflag:s3] =	ssyncset.done $0x0  }
.LBB2_2:
0x7a: {  	[sflag:s3] =	ssyncadd.s32 $0xFFFF8000  }
0x7b: {  	_ =	sfence.sel $0x180000  }
0x7c: {  	[bflag:$0x0] =	sbarrier.arrive $0xFFFF  }
0x7d: {  	p0 =	sne.s32 s0, $0x0;
	_ =	strace $0x90000047  }
0x7e: {  	s0 =	sadd.s32 @!p0 $0x100000, s1;
	[bflag:$0x2] =	sbarrier.arrive $0xFFFF  }
0x7f: {  	[sflag:s0] =	ssyncadd.tile.s32 @!p0 $0x1;
	_ =	shalt  }
.Lfunc_end2:
_tile_overlayer_lowered:
.L_overlay_start_2:
0x80: {  	(tag) =	ssettag $0x2  }
0x81: {  	s0 =	rddreg [dreg:$0x0];
	s2 =	stileid.u32  }
0x82: {  	s1 =	rddreg [dreg:$0x1];
	p0 =	sne.s32 s2, $0x0  }
0x83: {  	s3 =	rddreg [dreg:$0x2];
	[bflag:$0x3] =	sbarrier.arrive $0xFFFF;
	s2 =	simm.s32 @!p0 $0x1C03  }
0x84: {  	[timem:s3], [sflag:s2] =	dma.local @!p0 [hbm:s0], s1  }
0x85: {  	s0 =	simm.s32 @!p0 $0x3  }
0x86: {  	_ =	swait.ge @!p0 [sflag:s0], s1  }
0x87: {  	s1 =	ssub.s32 @!p0 $0x0, s1;
	[sflag:s0] =	ssyncset.done @!p0 $0x0  }
0x88: {  	[sflag:s0] =	ssyncadd.s32 @!p0 s1  }
0x89: {  	[bflag:$0x3] =	sbarrier.arrive $0xFFFF  }
0x8a: {  	_ =	shalt  }

</sc_bundles>
